<compile_context>
chip_gen: v7x
topology: tpu7x:2x2x1
jax: 0.10.2.dev20260603
libtpu: 0.0.44.dev20260713+nightly
codegen_flags: <defaults>
</compile_context>

<pallas_src>
import functools

import jax
import jax.numpy as jnp
from jax import lax
from jax.experimental import pallas as pl
from jax.experimental.pallas import tpu as pltpu
from jax.experimental.pallas import tpu_sc as plsc

_PAD_INDEX = 0
_PAIR_KEY_BASE = 20000
_NUM_GENES = 20000
_ROW_WORDS = 640
_B = 4
_S = 2048
_K = 64
_ROWS = _B * _S
_NW = 32
_RPW = _ROWS // _NW
_CHUNK = 16
_TC_BLK = 256


def _sc_mask_kernel(bitmap_hbm, ids_hbm, out_hbm, a_vec, bcol_w, bcol_bit,
                    row_buf, out_buf):
    wid = lax.axis_index("s") * 2 + lax.axis_index("c")
    base = wid * _RPW
    pltpu.sync_copy(ids_hbm.at[pl.ds(base, _RPW)], a_vec.at[pl.ds(0, _RPW)])
    batch_base = (wid // (_S // _RPW)) * _S
    pltpu.sync_copy(ids_hbm.at[pl.ds(batch_base, _S)], bcol_w)

    def col_prep(k, _):
        x = bcol_w[pl.ds(k * 16, 16)]
        bcol_bit[pl.ds(k * 16, 16)] = jnp.bitwise_and(x, 31)
        bcol_w[pl.ds(k * 16, 16)] = lax.shift_right_logical(x, 5)
        return 0

    lax.fori_loop(0, _S // 16, col_prep, 0)

    def row_body(r, _):
        a_s = a_vec[pl.ds(r, 16)][0]
        pltpu.sync_copy(bitmap_hbm.at[pl.ds(a_s * _ROW_WORDS, _ROW_WORDS)],
                        row_buf)

        def col_body(k, _):
            off = k * 16
            w16 = bcol_w[pl.ds(off, 16)]
            b16 = bcol_bit[pl.ds(off, 16)]
            word = plsc.load_gather(row_buf, [w16])
            m = jnp.bitwise_and(lax.shift_right_logical(word, b16), 1)
            out_buf[pl.ds(off, 16)] = m.astype(jnp.float32)
            return 0

        lax.fori_loop(0, _S // 16, col_body, 0)
        pltpu.sync_copy(out_buf, out_hbm.at[pl.ds((base + r) * _S, _S)])
        return 0

    lax.fori_loop(0, _RPW, row_body, 0)


def _sc_mask(bitmap, ids_flat):
    mesh = plsc.VectorSubcoreMesh(core_axis_name="c", subcore_axis_name="s")
    run = functools.partial(
        pl.kernel,
        mesh=mesh,
        compiler_params=pltpu.CompilerParams(needs_layout_passes=False),
        out_type=jax.ShapeDtypeStruct((_ROWS * _S,), jnp.float32),
        scratch_types=[
            pltpu.VMEM((_RPW + 16,), jnp.int32),
            pltpu.VMEM((_S,), jnp.int32),
            pltpu.VMEM((_S,), jnp.int32),
            pltpu.VMEM((_ROW_WORDS,), jnp.int32),
            pltpu.VMEM((_S,), jnp.float32),
        ],
    )(_sc_mask_kernel)
    return run(bitmap.reshape(-1), ids_flat)


def _tc_loss_kernel(u_ref, v_ref, m_ref, tf_ref, act_ref, num_ref, den_ref):
    b = pl.program_id(0)
    i = pl.program_id(1)

    @pl.when(jnp.logical_and(b == 0, i == 0))
    def _():
        num_ref[...] = jnp.zeros((1, 1), jnp.float32)
        den_ref[...] = jnp.zeros((1, 1), jnp.float32)

    u = u_ref[0]
    v = v_ref[0]
    p = lax.dot_general(u, v, (((1,), (1,)), ((), ())),
                        preferred_element_type=jnp.float32)
    p = jnp.clip(p, 1e-8, 1.0 - 1e-8)
    m = m_ref[0]
    loss = -(m * jnp.log(p) + (1.0 - m) * jnp.log(1.0 - p))
    tf = tf_ref[0, 0]
    act = act_ref[0, 0]
    sup = tf[:, None] * act[None, :]
    num_ref[...] += jnp.sum(loss * sup).reshape(1, 1)
    den_ref[...] += (jnp.sum(tf) * jnp.sum(act)).reshape(1, 1)


def _tc_loss(u, v, mask, tf_f, act_f):
    nblk = _S // _TC_BLK
    grid = (_B, nblk)
    num, den = pl.pallas_call(
        _tc_loss_kernel,
        grid=grid,
        in_specs=[
            pl.BlockSpec((1, _TC_BLK, _K), lambda b, i: (b, i, 0)),
            pl.BlockSpec((1, _S, _K), lambda b, i: (b, 0, 0)),
            pl.BlockSpec((1, _TC_BLK, _S), lambda b, i: (b, i, 0)),
            pl.BlockSpec((1, 1, _TC_BLK), lambda b, i: (b * nblk + i, 0, 0)),
            pl.BlockSpec((1, 1, _S), lambda b, i: (b, 0, 0)),
        ],
        out_specs=[
            pl.BlockSpec((1, 1), lambda b, i: (0, 0)),
            pl.BlockSpec((1, 1), lambda b, i: (0, 0)),
        ],
        out_shape=[
            jax.ShapeDtypeStruct((1, 1), jnp.float32),
            jax.ShapeDtypeStruct((1, 1), jnp.float32),
        ],
    )(u, v, mask, tf_f, act_f)
    return num[0, 0], den[0, 0]


def _build_bitmap(prior_pair_keys):
    sk = jnp.sort(prior_pair_keys.astype(jnp.int32))
    keep = jnp.concatenate(
        [jnp.ones((1,), jnp.bool_), sk[1:] != sk[:-1]])
    a = sk // _PAIR_KEY_BASE
    bcol = sk % _PAIR_KEY_BASE
    w = lax.shift_right_logical(bcol, 5)
    bit = jnp.bitwise_and(bcol, 31)
    vals = jnp.where(keep, lax.shift_left(jnp.int32(1), bit), jnp.int32(0))
    bitmap = jnp.zeros((_NUM_GENES, _ROW_WORDS), jnp.int32)
    return bitmap.at[a, w].add(vals, mode="drop")


def kernel(input_ids, non_tf_mask, padding_mask, u, v, prior_pair_keys):
    ids = input_ids.astype(jnp.int32)
    active = jnp.logical_and(ids != _PAD_INDEX, jnp.logical_not(padding_mask))
    tf = jnp.logical_and(active, jnp.logical_not(non_tf_mask))
    act_f = active.astype(jnp.float32).reshape(_B, 1, _S)
    tf_f = tf.astype(jnp.float32).reshape(_B * (_S // _TC_BLK), 1, _TC_BLK)

    bitmap = _build_bitmap(prior_pair_keys)
    mask_flat = _sc_mask(bitmap, ids.reshape(_ROWS))
    mask = mask_flat.reshape(_B, _S, _S)

    num, den = _tc_loss(u, v, mask, tf_f, act_f)
    return num / (den + 1e-8)

# --- scband reference (transcript-rebuilt; emitter-appended) ---
"""Pipeline reference for scband-prior-loss-86277303042510 (READ-ONLY COPY).

The authoritative reference and input builder live on the scoring server;
editing this copy changes nothing except your own understanding.
"""

import jax, jax.numpy as jnp
import numpy as np

PAD_INDEX = 0
PAIR_KEY_BASE = 20000
POS_WEIGHT = 1.0
NEG_WEIGHT = 1.0


def setup_inputs(seed: int = 0) -> dict:
    key = jax.random.key(seed)
    ks = jax.random.split(key, 5)
    input_ids = jax.random.randint(ks[0], (4, 2048), 0, 20000, dtype=jnp.int32)
    non_tf_mask = jax.random.randint(ks[1], (4, 2048), 0, 2).astype(bool)
    padding_mask = jnp.zeros((4, 2048), dtype=bool)
    u = jax.random.uniform(ks[2], (4, 2048, 64), dtype=jnp.float32)
    v = jax.random.uniform(ks[3], (4, 2048, 64), dtype=jnp.float32)
    prior_pair_keys = jax.random.randint(ks[4], (131072,), 0, 400000000, dtype=jnp.int32)
    return {
        "input_ids": input_ids,
        "non_tf_mask": non_tf_mask,
        "padding_mask": padding_mask,
        "u": u,
        "v": v,
        "prior_pair_keys": prior_pair_keys,
    }


def reference(input_ids, non_tf_mask, padding_mask, u, v, prior_pair_keys):
    # masks (mirrors build_active_gene_mask / build_tf_mask)
    active_gene_mask = (input_ids != PAD_INDEX) & (~padding_mask)
    tf_mask = active_gene_mask & (~non_tf_mask)
    # supervise_mask: TF source rows x active target cols
    supervise_mask = tf_mask[:, :, None] & active_gene_mask[:, None, :]
    # pair keys and membership against prior GRN edge set (torch.isin)
    ids = input_ids.astype(jnp.int32)
    pair_keys = ids[:, :, None] * PAIR_KEY_BASE + ids[:, None, :]
    sorted_prior = jnp.sort(prior_pair_keys)
    pos = jnp.searchsorted(sorted_prior, pair_keys)
    pos = jnp.clip(pos, 0, sorted_prior.shape[0] - 1)
    is_in = jnp.take(sorted_prior, pos) == pair_keys
    positive_mask = is_in & supervise_mask
    target = positive_mask.astype(jnp.float32)
    # edge probabilities from factors: bmm(u, v^T), clamped
    edge_prob = jnp.clip(jnp.einsum('bik,bjk->bij', u, v), 1e-8, 1.0 - 1e-8)
    # elementwise binary cross entropy (reduction='none')
    loss = -(target * jnp.log(edge_prob) + (1.0 - target) * jnp.log(1.0 - edge_prob))
    weight = target * POS_WEIGHT + (1.0 - target) * NEG_WEIGHT
    # neg_sample_ratio is None -> sampled_mask == supervise_mask
    sampled_mask_f = supervise_mask.astype(edge_prob.dtype)
    numer = (loss * weight * sampled_mask_f).sum()
    denom = (weight * sampled_mask_f).sum()
    return numer / (denom + 1e-8)

if __name__ == "__main__":
    import jax
    _d = setup_inputs()
    print(jax.jit(kernel)(*tuple(_d.values())))

</pallas_src>

<mosaic_0001>
#map = affine_map<(d0, d1) -> (0)>
module attributes {stable_mosaic.version = 14 : i64} {
  func.func @_sc_mask_kernel(%arg0: i32, %arg1: i32, %arg2: memref<12800000xi32, #tpu.memory_space<hbm>>, %arg3: memref<8192xi32, #tpu.memory_space<hbm>>, %arg4: memref<16777216xf32, #tpu.memory_space<hbm>>, %arg5: memref<272xi32, #tpu.memory_space<vmem>>, %arg6: memref<2048xi32, #tpu.memory_space<vmem>>, %arg7: memref<2048xi32, #tpu.memory_space<vmem>>, %arg8: memref<640xi32, #tpu.memory_space<vmem>>, %arg9: memref<2048xf32, #tpu.memory_space<vmem>>) attributes {dimension_semantics = [#tpu.dimension_semantics<core_parallel>, #tpu.dimension_semantics<subcore_parallel>], iteration_bounds = array<i64: 2, 16>, scalar_prefetch = 0 : i64, scratch_operands = 5 : i64, tpu.core_type = #tpu.core_type<sc_vector_subcore>, window_params = [{transform_indices = #map}, {transform_indices = #map}, {transform_indices = #map}]} {
    %mul3A = arith.constant 2 : i32
    %mul3A_0 = arith.muli %arg1, %mul3A : i32
    %add3A = arith.addi %mul3A_0, %arg0 : i32
    %mul3A_1 = arith.constant 256 : i32
    %mul3A_2 = arith.muli %add3A, %mul3A_1 : i32
    "tpu.region"() ({
      %run_scoped3A = tpu.sem_alloc : memref<!tpu.dma_semaphore, #tpu.memory_space<semaphore_mem>>
      %dma_start3A = arith.constant 0 : i32
      %dma_start3A_34 = tpu.memref_slice %arg5[%dma_start3A] : memref<272xi32, #tpu.memory_space<vmem>> -> memref<256xi32, #tpu.memory_space<vmem>>
      %dma_start3A_35 = tpu.memref_slice %arg3[%mul3A_2] : memref<8192xi32, #tpu.memory_space<hbm>> -> memref<256xi32, #tpu.memory_space<hbm>>
      %dma_start3A_36 = arith.constant 0 : i32
      %dma_start3A_37 = tpu.memref_slice %arg5[%dma_start3A_36] : memref<272xi32, #tpu.memory_space<vmem>> -> memref<256xi32, #tpu.memory_space<vmem>>
      %dma_start3A_38 = tpu.memref_slice %arg3[%mul3A_2] : memref<8192xi32, #tpu.memory_space<hbm>> -> memref<256xi32, #tpu.memory_space<hbm>>
      tpu.enqueue_dma source(%dma_start3A_38 : memref<256xi32, #tpu.memory_space<hbm>>) target(%dma_start3A_37 : memref<256xi32, #tpu.memory_space<vmem>>) target_semaphore(%run_scoped3A : memref<!tpu.dma_semaphore, #tpu.memory_space<semaphore_mem>>)
      %dma_wait3A = arith.constant 0 : i32
      %dma_wait3A_39 = tpu.memref_slice %arg5[%dma_wait3A] : memref<272xi32, #tpu.memory_space<vmem>> -> memref<256xi32, #tpu.memory_space<vmem>>
      %dma_wait3A_40 = tpu.memref_slice %arg3[%mul3A_2] : memref<8192xi32, #tpu.memory_space<hbm>> -> memref<256xi32, #tpu.memory_space<hbm>>
      %dma_wait3A_41 = arith.constant 0 : i32
      %dma_wait3A_42 = tpu.memref_slice %arg5[%dma_wait3A_41] : memref<272xi32, #tpu.memory_space<vmem>> -> memref<256xi32, #tpu.memory_space<vmem>>
      %dma_wait3A_43 = tpu.memref_slice %arg3[%mul3A_2] : memref<8192xi32, #tpu.memory_space<hbm>> -> memref<256xi32, #tpu.memory_space<hbm>>
      tpu.wait_dma2 semaphore(%run_scoped3A : memref<!tpu.dma_semaphore, #tpu.memory_space<semaphore_mem>>) src(%dma_wait3A_43 : memref<256xi32, #tpu.memory_space<hbm>>) dst(%dma_wait3A_42 : memref<256xi32, #tpu.memory_space<vmem>>)
      tpu.yield
    }) : () -> ()
    %jit3A = arith.constant 8 : i32
    %div3A = arith.divsi %add3A, %jit3A : i32
    %sign3A = arith.constant 0 : i32
    %sign3A_3 = arith.cmpi sgt, %add3A, %sign3A : i32
    %sign3A_4 = arith.extui %sign3A_3 : i1 to i32
    %sign3A_5 = arith.constant 0 : i32
    %sign3A_6 = arith.cmpi slt, %add3A, %sign3A_5 : i32
    %sign3A_7 = arith.extui %sign3A_6 : i1 to i32
    %sign3A_8 = arith.subi %sign3A_4, %sign3A_7 : i32
    %sign3A_9 = arith.constant 0 : i32
    %sign3A_10 = arith.cmpi sgt, %jit3A, %sign3A_9 : i32
    %sign3A_11 = arith.extui %sign3A_10 : i1 to i32
    %sign3A_12 = arith.constant 0 : i32
    %sign3A_13 = arith.cmpi slt, %jit3A, %sign3A_12 : i32
    %sign3A_14 = arith.extui %sign3A_13 : i1 to i32
    %sign3A_15 = arith.subi %sign3A_11, %sign3A_14 : i32
    %ne3A = arith.cmpi ne, %sign3A_8, %sign3A_15 : i32
    %rem3A = arith.remsi %add3A, %jit3A : i32
    %ne3A_16 = arith.constant 0 : i32
    %ne3A_17 = arith.cmpi ne, %rem3A, %ne3A_16 : i32
    %and3A = arith.andi %ne3A, %ne3A_17 : i1
    %sub3A = arith.constant 1 : i32
    %sub3A_18 = arith.subi %div3A, %sub3A : i32
    %select_n3A = arith.select %and3A, %sub3A_18, %div3A : i32
    %mul3A_19 = arith.constant 2048 : i32
    %mul3A_20 = arith.muli %select_n3A, %mul3A_19 : i32
    "tpu.region"() ({
      %run_scoped3A = tpu.sem_alloc : memref<!tpu.dma_semaphore, #tpu.memory_space<semaphore_mem>>
      %dma_start3A = tpu.memref_slice %arg3[%mul3A_20] : memref<8192xi32, #tpu.memory_space<hbm>> -> memref<2048xi32, #tpu.memory_space<hbm>>
      %dma_start3A_34 = tpu.memref_slice %arg3[%mul3A_20] : memref<8192xi32, #tpu.memory_space<hbm>> -> memref<2048xi32, #tpu.memory_space<hbm>>
      tpu.enqueue_dma source(%dma_start3A_34 : memref<2048xi32, #tpu.memory_space<hbm>>) target(%arg6 : memref<2048xi32, #tpu.memory_space<vmem>>) target_semaphore(%run_scoped3A : memref<!tpu.dma_semaphore, #tpu.memory_space<semaphore_mem>>)
      %dma_wait3A = tpu.memref_slice %arg3[%mul3A_20] : memref<8192xi32, #tpu.memory_space<hbm>> -> memref<2048xi32, #tpu.memory_space<hbm>>
      %dma_wait3A_35 = tpu.memref_slice %arg3[%mul3A_20] : memref<8192xi32, #tpu.memory_space<hbm>> -> memref<2048xi32, #tpu.memory_space<hbm>>
      tpu.wait_dma2 semaphore(%run_scoped3A : memref<!tpu.dma_semaphore, #tpu.memory_space<semaphore_mem>>) src(%dma_wait3A_35 : memref<2048xi32, #tpu.memory_space<hbm>>) dst(%arg6 : memref<2048xi32, #tpu.memory_space<vmem>>)
      tpu.yield
    }) : () -> ()
    %scan3A = arith.constant 0 : i32
    %scan3A_21 = arith.constant 0 : i32
    %scan3A_22 = arith.constant 128 : i32
    %scan3A_23 = arith.addi %scan3A_21, %scan3A_22 : i32
    %scan3A_24 = arith.constant 1 : i32
    %scan3A_25 = scf.for %scan3A_34 = %scan3A_21 to %scan3A_23 step %scan3A_24 iter_args(%scan3A_35 = %scan3A) -> (i32)  : i32 {
      %mul3A_36 = arith.constant 16 : i32
      %mul3A_37 = arith.muli %scan3A_34, %mul3A_36 : i32
      %get3A = arith.index_cast %mul3A_37 : i32 to index
      %get3A_38 = tpu.vector_load %arg6[%get3A] {strides = array<i32>} : memref<2048xi32, #tpu.memory_space<vmem>>, vector<16xi32>,
      %and3A_39 = arith.constant 31 : i32
      %and3A_40 = vector.broadcast %and3A_39 : i32 to vector<16xi32>
      %and3A_41 = arith.andi %get3A_38, %and3A_40 : vector<16xi32>
      %mul3A_42 = arith.constant 16 : i32
      %mul3A_43 = arith.muli %scan3A_34, %mul3A_42 : i32
      %swap3A = arith.index_cast %mul3A_43 : i32 to index
      %swap3A_44 = tpu.vector_load %arg7[%swap3A] {strides = array<i32>} : memref<2048xi32, #tpu.memory_space<vmem>>, vector<16xi32>,
      tpu.vector_store %arg7[%swap3A], %and3A_41 {strides = array<i32>} : memref<2048xi32, #tpu.memory_space<vmem>>, vector<16xi32>,
      %shift_right_logical3A = arith.constant 5 : i32
      %shift_right_logical3A_45 = vector.broadcast %shift_right_logical3A : i32 to vector<16xi32>
      %shift_right_logical3A_46 = arith.shrui %get3A_38, %shift_right_logical3A_45 : vector<16xi32>
      %mul3A_47 = arith.constant 16 : i32
      %mul3A_48 = arith.muli %scan3A_34, %mul3A_47 : i32
      %swap3A_49 = arith.index_cast %mul3A_48 : i32 to index
      %swap3A_50 = tpu.vector_load %arg6[%swap3A_49] {strides = array<i32>} : memref<2048xi32, #tpu.memory_space<vmem>>, vector<16xi32>,
      tpu.vector_store %arg6[%swap3A_49], %shift_right_logical3A_46 {strides = array<i32>} : memref<2048xi32, #tpu.memory_space<vmem>>, vector<16xi32>,
      %scan3A_51 = arith.constant 0 : i32
      scf.yield %scan3A_51 : i32
    }
    %scan3A_26 = arith.constant 128 : i32
    %scan3A_27 = arith.constant 0 : i32
    %scan3A_28 = arith.constant 0 : i32
    %scan3A_29 = arith.constant 256 : i32
    %scan3A_30 = arith.addi %scan3A_28, %scan3A_29 : i32
    %scan3A_31 = arith.constant 1 : i32
    %scan3A_32 = scf.for %scan3A_34 = %scan3A_28 to %scan3A_30 step %scan3A_31 iter_args(%scan3A_35 = %scan3A_27) -> (i32)  : i32 {
      %get3A = arith.index_cast %scan3A_34 : i32 to index
      %get3A_36 = tpu.vector_load %arg5[%get3A] {strides = array<i32>} : memref<272xi32, #tpu.memory_space<vmem>>, vector<16xi32>,
      %slice3A = vector.extract_strided_slice %get3A_36 {offsets = [0], sizes = [1], strides = [1]} : vector<16xi32> to vector<1xi32>
      %squeeze3A = vector.extract %slice3A[0] : i32 from vector<1xi32>
      %mul3A_37 = arith.constant 640 : i32
      %mul3A_38 = arith.muli %squeeze3A, %mul3A_37 : i32
      "tpu.region"() ({
        %run_scoped3A = tpu.sem_alloc : memref<!tpu.dma_semaphore, #tpu.memory_space<semaphore_mem>>
        %dma_start3A = tpu.memref_slice %arg2[%mul3A_38] : memref<12800000xi32, #tpu.memory_space<hbm>> -> memref<640xi32, #tpu.memory_space<hbm>>
        %dma_start3A_50 = tpu.memref_slice %arg2[%mul3A_38] : memref<12800000xi32, #tpu.memory_space<hbm>> -> memref<640xi32, #tpu.memory_space<hbm>>
        tpu.enqueue_dma source(%dma_start3A_50 : memref<640xi32, #tpu.memory_space<hbm>>) target(%arg8 : memref<640xi32, #tpu.memory_space<vmem>>) target_semaphore(%run_scoped3A : memref<!tpu.dma_semaphore, #tpu.memory_space<semaphore_mem>>)
        %dma_wait3A = tpu.memref_slice %arg2[%mul3A_38] : memref<12800000xi32, #tpu.memory_space<hbm>> -> memref<640xi32, #tpu.memory_space<hbm>>
        %dma_wait3A_51 = tpu.memref_slice %arg2[%mul3A_38] : memref<12800000xi32, #tpu.memory_space<hbm>> -> memref<640xi32, #tpu.memory_space<hbm>>
        tpu.wait_dma2 semaphore(%run_scoped3A : memref<!tpu.dma_semaphore, #tpu.memory_space<semaphore_mem>>) src(%dma_wait3A_51 : memref<640xi32, #tpu.memory_space<hbm>>) dst(%arg8 : memref<640xi32, #tpu.memory_space<vmem>>)
        tpu.yield
      }) : () -> ()
      %scan3A_39 = arith.constant 0 : i32
      %scan3A_40 = arith.constant 0 : i32
      %scan3A_41 = arith.constant 128 : i32
      %scan3A_42 = arith.addi %scan3A_40, %scan3A_41 : i32
      %scan3A_43 = arith.constant 1 : i32
      %scan3A_44 = scf.for %scan3A_50 = %scan3A_40 to %scan3A_42 step %scan3A_43 iter_args(%scan3A_51 = %scan3A_39) -> (i32)  : i32 {
        %mul3A_52 = arith.constant 16 : i32
        %mul3A_53 = arith.muli %scan3A_50, %mul3A_52 : i32
        %get3A_54 = arith.index_cast %mul3A_53 : i32 to index
        %get3A_55 = tpu.vector_load %arg6[%get3A_54] {strides = array<i32>} : memref<2048xi32, #tpu.memory_space<vmem>>, vector<16xi32>,
        %get3A_56 = arith.index_cast %mul3A_53 : i32 to index
        %get3A_57 = tpu.vector_load %arg7[%get3A_56] {strides = array<i32>} : memref<2048xi32, #tpu.memory_space<vmem>>, vector<16xi32>,
        %gather3A = tpu.vector_load_idx %arg8[%get3A_55] : memref<640xi32, #tpu.memory_space<vmem>>[vector<16xi32>], vector<16xi32>,
        %shift_right_logical3A = arith.shrui %gather3A, %get3A_57 : vector<16xi32>
        %and3A_58 = arith.constant 1 : i32
        %and3A_59 = vector.broadcast %and3A_58 : i32 to vector<16xi32>
        %and3A_60 = arith.andi %shift_right_logical3A, %and3A_59 : vector<16xi32>
        %convert_element_type3A = arith.sitofp %and3A_60 : vector<16xi32> to vector<16xf32>
        %swap3A = arith.index_cast %mul3A_53 : i32 to index
        %swap3A_61 = tpu.vector_load %arg9[%swap3A] {strides = array<i32>} : memref<2048xf32, #tpu.memory_space<vmem>>, vector<16xf32>,
        tpu.vector_store %arg9[%swap3A], %convert_element_type3A {strides = array<i32>} : memref<2048xf32, #tpu.memory_space<vmem>>, vector<16xf32>,
        %scan3A_62 = arith.constant 0 : i32
        scf.yield %scan3A_62 : i32
      }
      %scan3A_45 = arith.constant 128 : i32
      %add3A_46 = arith.addi %mul3A_2, %scan3A_34 : i32
      %mul3A_47 = arith.constant 2048 : i32
      %mul3A_48 = arith.muli %add3A_46, %mul3A_47 : i32
      "tpu.region"() ({
        %run_scoped3A = tpu.sem_alloc : memref<!tpu.dma_semaphore, #tpu.memory_space<semaphore_mem>>
        %dma_start3A = tpu.memref_slice %arg4[%mul3A_48] : memref<16777216xf32, #tpu.memory_space<hbm>> -> memref<2048xf32, #tpu.memory_space<hbm>>
        %dma_start3A_50 = tpu.memref_slice %arg4[%mul3A_48] : memref<16777216xf32, #tpu.memory_space<hbm>> -> memref<2048xf32, #tpu.memory_space<hbm>>
        tpu.enqueue_dma source(%arg9 : memref<2048xf32, #tpu.memory_space<vmem>>) target(%dma_start3A_50 : memref<2048xf32, #tpu.memory_space<hbm>>) target_semaphore(%run_scoped3A : memref<!tpu.dma_semaphore, #tpu.memory_space<semaphore_mem>>)
        %dma_wait3A = tpu.memref_slice %arg4[%mul3A_48] : memref<16777216xf32, #tpu.memory_space<hbm>> -> memref<2048xf32, #tpu.memory_space<hbm>>
        %dma_wait3A_51 = tpu.memref_slice %arg4[%mul3A_48] : memref<16777216xf32, #tpu.memory_space<hbm>> -> memref<2048xf32, #tpu.memory_space<hbm>>
        tpu.wait_dma2 semaphore(%run_scoped3A : memref<!tpu.dma_semaphore, #tpu.memory_space<semaphore_mem>>) src(%arg9 : memref<2048xf32, #tpu.memory_space<vmem>>) dst(%dma_wait3A_51 : memref<2048xf32, #tpu.memory_space<hbm>>)
        tpu.yield
      }) : () -> ()
      %scan3A_49 = arith.constant 0 : i32
      scf.yield %scan3A_49 : i32
    }
    %scan3A_33 = arith.constant 256 : i32
    return
  }
}

module attributes {stable_mosaic.version = 14 : i64} {
  func.func @_tc_loss_kernel(%arg0: i32, %arg1: i32, %arg2: memref<1x256x64xf32, #tpu.memory_space<vmem>>, %arg3: memref<1x2048x64xf32, #tpu.memory_space<vmem>>, %arg4: memref<1x256x2048xf32, #tpu.memory_space<vmem>>, %arg5: memref<1x1x256xf32, #tpu.memory_space<vmem>>, %arg6: memref<1x1x2048xf32, #tpu.memory_space<vmem>>, %arg7: memref<1x1xf32, #tpu.memory_space<vmem>>, %arg8: memref<1x1xf32, #tpu.memory_space<vmem>>) attributes {dimension_semantics = [#tpu.dimension_semantics<arbitrary>, #tpu.dimension_semantics<arbitrary>], iteration_bounds = array<i64: 4, 8>, scalar_prefetch = 0 : i64, scratch_operands = 0 : i64, tpu.core_type = #tpu.core_type<tc>, window_params = [{transform_indices = @transform_0, window_bounds = array<i64: 1, 256, 64>}, {transform_indices = @transform_1, window_bounds = array<i64: 1, 2048, 64>}, {transform_indices = @transform_2, window_bounds = array<i64: 1, 256, 2048>}, {transform_indices = @transform_3, window_bounds = array<i64: 1, 1, 256>}, {transform_indices = @transform_4, window_bounds = array<i64: 1, 1, 2048>}, {pipeline_mode = #tpu.pipeline_mode<synchronous>, transform_indices = @transform_5, window_bounds = array<i64: 1, 1>}, {pipeline_mode = #tpu.pipeline_mode<synchronous>, transform_indices = @transform_6, window_bounds = array<i64: 1, 1>}]} {
    %eq3A = arith.constant 0 : i32
    %eq3A_0 = arith.cmpi eq, %arg0, %eq3A : i32
    %eq3A_1 = arith.constant 0 : i32
    %eq3A_2 = arith.cmpi eq, %arg1, %eq3A_1 : i32
    %and3A = arith.andi %eq3A_0, %eq3A_2 : i1
    %convert_element_type3A = arith.extui %and3A : i1 to i32
    %cond3A = arith.constant 0 : i32
    %cond3A_3 = arith.cmpi ne, %convert_element_type3A, %cond3A : i32
    scf.if %cond3A_3 {
      %broadcast_in_dim3A_75 = arith.constant 0.000000e+00 : f32
      %broadcast_in_dim3A_76 = vector.broadcast %broadcast_in_dim3A_75 : f32 to vector<1x1xf32>
      %swap3A_77 = arith.constant 0 : index
      %swap3A_78 = arith.constant 0 : index
      %swap3A_79 = vector.load %arg7[%swap3A_77, %swap3A_78] : memref<1x1xf32, #tpu.memory_space<vmem>>, vector<1x1xf32>
      tpu.vector_store %arg7[%swap3A_77, %swap3A_78], %broadcast_in_dim3A_76 {strides = array<i32>} : memref<1x1xf32, #tpu.memory_space<vmem>>, vector<1x1xf32>,
      %broadcast_in_dim3A_80 = arith.constant 0.000000e+00 : f32
      %broadcast_in_dim3A_81 = vector.broadcast %broadcast_in_dim3A_80 : f32 to vector<1x1xf32>
      %swap3A_82 = arith.constant 0 : index
      %swap3A_83 = arith.constant 0 : index
      %swap3A_84 = vector.load %arg8[%swap3A_82, %swap3A_83] : memref<1x1xf32, #tpu.memory_space<vmem>>, vector<1x1xf32>
      tpu.vector_store %arg8[%swap3A_82, %swap3A_83], %broadcast_in_dim3A_81 {strides = array<i32>} : memref<1x1xf32, #tpu.memory_space<vmem>>, vector<1x1xf32>,
    } else {
    }
    %get3A = arith.constant 0 : index
    %get3A_4 = arith.constant 0 : index
    %get3A_5 = arith.constant 0 : index
    %get3A_6 = vector.load %arg2[%get3A, %get3A_4, %get3A_5] : memref<1x256x64xf32, #tpu.memory_space<vmem>>, vector<1x256x64xf32>
    %get3A_7 = vector.shape_cast %get3A_6 : vector<1x256x64xf32> to vector<256x64xf32>
    %get3A_8 = arith.constant 0 : index
    %get3A_9 = arith.constant 0 : index
    %get3A_10 = arith.constant 0 : index
    %get3A_11 = vector.load %arg3[%get3A_8, %get3A_9, %get3A_10] : memref<1x2048x64xf32, #tpu.memory_space<vmem>>, vector<1x2048x64xf32>
    %get3A_12 = vector.shape_cast %get3A_11 : vector<1x2048x64xf32> to vector<2048x64xf32>
    %dot_general3A = arith.constant dense<0.000000e+00> : vector<256x2048xf32>
    %dot_general3A_13 = tpu.matmul %get3A_7, %get3A_12, %dot_general3A {dimension_numbers = #tpu.dot_dimension_numbers<[1], [1], [0], [0], [0, 0, 1, 0], [], []>, transpose_lhs_hint = false} : vector<256x64xf32>, vector<2048x64xf32>, vector<256x2048xf32> -> vector<256x2048xf32>
    %jit3A = arith.constant 9.99999993E-9 : f32
    %jit3A_14 = arith.constant 1.000000e+00 : f32
    %max3A = vector.broadcast %jit3A : f32 to vector<256x2048xf32>
    %max3A_15 = arith.maximumf %max3A, %dot_general3A_13 : vector<256x2048xf32>
    %min3A = vector.broadcast %jit3A_14 : f32 to vector<256x2048xf32>
    %min3A_16 = arith.minimumf %min3A, %max3A_15 : vector<256x2048xf32>
    %get3A_17 = arith.constant 0 : index
    %get3A_18 = arith.constant 0 : index
    %get3A_19 = arith.constant 0 : index
    %get3A_20 = vector.load %arg4[%get3A_17, %get3A_18, %get3A_19] : memref<1x256x2048xf32, #tpu.memory_space<vmem>>, vector<1x256x2048xf32>
    %get3A_21 = vector.shape_cast %get3A_20 : vector<1x256x2048xf32> to vector<256x2048xf32>
    %log3A = math.log %min3A_16 : vector<256x2048xf32>
    %mul3A = arith.mulf %get3A_21, %log3A : vector<256x2048xf32>
    %sub3A = arith.constant 1.000000e+00 : f32
    %sub3A_22 = vector.broadcast %sub3A : f32 to vector<256x2048xf32>
    %sub3A_23 = arith.subf %sub3A_22, %get3A_21 : vector<256x2048xf32>
    %sub3A_24 = arith.constant 1.000000e+00 : f32
    %sub3A_25 = vector.broadcast %sub3A_24 : f32 to vector<256x2048xf32>
    %sub3A_26 = arith.subf %sub3A_25, %min3A_16 : vector<256x2048xf32>
    %log3A_27 = math.log %sub3A_26 : vector<256x2048xf32>
    %mul3A_28 = arith.mulf %sub3A_23, %log3A_27 : vector<256x2048xf32>
    %add3A = arith.addf %mul3A, %mul3A_28 : vector<256x2048xf32>
    %neg3A = arith.constant 0.000000e+00 : f32
    %neg3A_29 = vector.broadcast %neg3A : f32 to vector<256x2048xf32>
    %neg3A_30 = arith.subf %neg3A_29, %add3A : vector<256x2048xf32>
    %get3A_31 = arith.constant 0 : index
    %get3A_32 = arith.constant 0 : index
    %get3A_33 = arith.constant 0 : index
    %get3A_34 = vector.load %arg5[%get3A_31, %get3A_32, %get3A_33] : memref<1x1x256xf32, #tpu.memory_space<vmem>>, vector<1x1x256xf32>
    %get3A_35 = vector.shape_cast %get3A_34 : vector<1x1x256xf32> to vector<256xf32>
    %get3A_36 = arith.constant 0 : index
    %get3A_37 = arith.constant 0 : index
    %get3A_38 = arith.constant 0 : index
    %get3A_39 = vector.load %arg6[%get3A_36, %get3A_37, %get3A_38] : memref<1x1x2048xf32, #tpu.memory_space<vmem>>, vector<1x1x2048xf32>
    %get3A_40 = vector.shape_cast %get3A_39 : vector<1x1x2048xf32> to vector<2048xf32>
    %broadcast_in_dim3A = vector.shape_cast %get3A_35 : vector<256xf32> to vector<256x1xf32>
    %broadcast_in_dim3A_41 = vector.shape_cast %get3A_40 : vector<2048xf32> to vector<1x2048xf32>
    %mul3A_42 = vector.broadcast %broadcast_in_dim3A : vector<256x1xf32> to vector<256x2048xf32>
    %mul3A_43 = vector.broadcast %broadcast_in_dim3A_41 : vector<1x2048xf32> to vector<256x2048xf32>
    %mul3A_44 = arith.mulf %mul3A_42, %mul3A_43 : vector<256x2048xf32>
    %get3A_45 = arith.constant 0 : index
    %get3A_46 = arith.constant 0 : index
    %get3A_47 = vector.load %arg7[%get3A_45, %get3A_46] : memref<1x1xf32, #tpu.memory_space<vmem>>, vector<1x1xf32>
    %mul3A_48 = arith.mulf %neg3A_30, %mul3A_44 : vector<256x2048xf32>
    %reduce_sum3A = vector.shape_cast %mul3A_48 : vector<256x2048xf32> to vector<1x256x2048xf32>
    %reduce_sum3A_49 = arith.constant dense<0.000000e+00> : vector<1xf32>
    %reduce_sum3A_50 = vector.multi_reduction <add>, %reduce_sum3A, %reduce_sum3A_49 [1, 2] : vector<1x256x2048xf32> to vector<1xf32>
    %reduce_sum3A_51 = vector.shape_cast %reduce_sum3A_50 : vector<1xf32> to vector<1x1x1xf32>
    %reduce_sum3A_52 = vector.extract %reduce_sum3A_51[0, 0, 0] : f32 from vector<1x1x1xf32>
    %reshape3A = vector.broadcast %reduce_sum3A_52 : f32 to vector<1x1xf32>
    %add3A_53 = arith.addf %get3A_47, %reshape3A : vector<1x1xf32>
    %swap3A = arith.constant 0 : index
    %swap3A_54 = arith.constant 0 : index
    %swap3A_55 = vector.load %arg7[%swap3A, %swap3A_54] : memref<1x1xf32, #tpu.memory_space<vmem>>, vector<1x1xf32>
    tpu.vector_store %arg7[%swap3A, %swap3A_54], %add3A_53 {strides = array<i32>} : memref<1x1xf32, #tpu.memory_space<vmem>>, vector<1x1xf32>,
    %get3A_56 = arith.constant 0 : index
    %get3A_57 = arith.constant 0 : index
    %get3A_58 = vector.load %arg8[%get3A_56, %get3A_57] : memref<1x1xf32, #tpu.memory_space<vmem>>, vector<1x1xf32>
    %reduce_sum3A_59 = vector.shape_cast %get3A_35 : vector<256xf32> to vector<1x256xf32>
    %reduce_sum3A_60 = arith.constant dense<0.000000e+00> : vector<1xf32>
    %reduce_sum3A_61 = vector.multi_reduction <add>, %reduce_sum3A_59, %reduce_sum3A_60 [1] : vector<1x256xf32> to vector<1xf32>
    %reduce_sum3A_62 = vector.shape_cast %reduce_sum3A_61 : vector<1xf32> to vector<1x1xf32>
    %reduce_sum3A_63 = vector.extract %reduce_sum3A_62[0, 0] : f32 from vector<1x1xf32>
    %reduce_sum3A_64 = vector.shape_cast %get3A_40 : vector<2048xf32> to vector<1x2048xf32>
    %reduce_sum3A_65 = arith.constant dense<0.000000e+00> : vector<1xf32>
    %reduce_sum3A_66 = vector.multi_reduction <add>, %reduce_sum3A_64, %reduce_sum3A_65 [1] : vector<1x2048xf32> to vector<1xf32>
    %reduce_sum3A_67 = vector.shape_cast %reduce_sum3A_66 : vector<1xf32> to vector<1x1xf32>
    %reduce_sum3A_68 = vector.extract %reduce_sum3A_67[0, 0] : f32 from vector<1x1xf32>
    %mul3A_69 = arith.mulf %reduce_sum3A_63, %reduce_sum3A_68 : f32
    %reshape3A_70 = vector.broadcast %mul3A_69 : f32 to vector<1x1xf32>
    %add3A_71 = arith.addf %get3A_58, %reshape3A_70 : vector<1x1xf32>
    %swap3A_72 = arith.constant 0 : index
    %swap3A_73 = arith.constant 0 : index
    %swap3A_74 = vector.load %arg8[%swap3A_72, %swap3A_73] : memref<1x1xf32, #tpu.memory_space<vmem>>, vector<1x1xf32>
    tpu.vector_store %arg8[%swap3A_72, %swap3A_73], %add3A_71 {strides = array<i32>} : memref<1x1xf32, #tpu.memory_space<vmem>>, vector<1x1xf32>,
    return
  }
  func.func @transform_0(%arg0: i32, %arg1: i32) -> (i32, i32, i32) {
    %c0_i32 = arith.constant 0 : i32
    %c0_i32_0 = arith.constant 0 : i32
    return %arg0, %arg1, %c0_i32 : i32, i32, i32
  }
  func.func @transform_1(%arg0: i32, %arg1: i32) -> (i32, i32, i32) {
    %c0_i32 = arith.constant 0 : i32
    %c0_i32_0 = arith.constant 0 : i32
    %c0_i32_1 = arith.constant 0 : i32
    return %arg0, %c0_i32, %c0_i32_0 : i32, i32, i32
  }
  func.func @transform_2(%arg0: i32, %arg1: i32) -> (i32, i32, i32) {
    %c0_i32 = arith.constant 0 : i32
    %c0_i32_0 = arith.constant 0 : i32
    return %arg0, %arg1, %c0_i32 : i32, i32, i32
  }
  func.func @transform_3(%arg0: i32, %arg1: i32) -> (i32, i32, i32) {
    %mul3A = arith.constant 8 : i32
    %mul3A_0 = arith.muli %arg0, %mul3A : i32
    %add3A = arith.addi %mul3A_0, %arg1 : i32
    %c0_i32 = arith.constant 0 : i32
    %c0_i32_1 = arith.constant 0 : i32
    %c0_i32_2 = arith.constant 0 : i32
    return %add3A, %c0_i32, %c0_i32_1 : i32, i32, i32
  }
  func.func @transform_4(%arg0: i32, %arg1: i32) -> (i32, i32, i32) {
    %c0_i32 = arith.constant 0 : i32
    %c0_i32_0 = arith.constant 0 : i32
    %c0_i32_1 = arith.constant 0 : i32
    return %arg0, %c0_i32, %c0_i32_0 : i32, i32, i32
  }
  func.func @transform_5(%arg0: i32, %arg1: i32) -> (i32, i32) {
    %c0_i32 = arith.constant 0 : i32
    %c0_i32_0 = arith.constant 0 : i32
    %c0_i32_1 = arith.constant 0 : i32
    return %c0_i32, %c0_i32_0 : i32, i32
  }
  func.func @transform_6(%arg0: i32, %arg1: i32) -> (i32, i32) {
    %c0_i32 = arith.constant 0 : i32
    %c0_i32_0 = arith.constant 0 : i32
    %c0_i32_1 = arith.constant 0 : i32
    return %c0_i32, %c0_i32_0 : i32, i32
  }
}

</mosaic_0001>

<sc_bundles>
// kernel: kernel.4.cloned.1.call-start
scs
__scs_entry_jumppad:
0x0: {  	(pc) =	sbr.rel $0x88, $3  }
0x1: {  	(tag) =	ssettag $0x0;
	lr =	simm.s32 $0x1  }
0x2: {  	[smem:$0x3F9B] =	sst lr;
	_ =	strace $0xD0000000  }
0x3: {  	_ = 	snop  }
0x4: {  	_ = 	snop  }
0x5: {  	_ = 	snop  }
0x6: {  	_ = 	snop  }
0x7: {  	_ = 	snop  }
__scs_overlays_trampoline_lowered:
0x8: {  	[smem:$0x3FAA] =	sst s0  }
0x9: {  	[smem:$0x3FAB] =	sst s1  }
0xa: {  	[smem:$0x3FAC] =	sst s2  }
0xb: {  	[smem:$0x3FAD] =	sst s3  }
0xc: {  	[smem:$0x3FAE] =	sst s4  }
0xd: {  	[smem:$0x3FAF] =	sst s5  }
0xe: {  	[smem:$0x3FB0] =	sst s6  }
0xf: {  	[smem:$0x3FB1] =	sst s7  }
0x10: {  	[smem:$0x3FB2] =	sst s8  }
0x11: {  	[smem:$0x3FB3] =	sst s9;
	s0 =	simm.s32 @!p0 $0x0  }
0x12: {  	s1 =	sld [smem:$0x3F99];
	s0 =	simm.s32 @p0 $0x1  }
0x13: {  	[smem:$0x3FB4] =	sst s0;
	s0 =	simm.s32 @!p1 $0x0  }
0x14: {  	s2 =	sld [smem:$0x3F98];
	s0 =	simm.s32 @p1 $0x1  }
0x15: {  	[smem:$0x3FB5] =	sst s0;
	s0 =	simm.s32 @!p2 $0x0  }
0x16: {  	s3 =	sld [smem:$0x3FDB];
	s0 =	simm.s32 @p2 $0x1  }
0x17: {  	s4 =	simm.s32 $0x1BF5;
	[smem:$0x3FB7] =	sst s0  }
0x18: {  	s0 =	sld [smem:$0x3F9A];
	_ =	swait.ge [sflag:s4], $0x0  }
0x19: {  	s7 =	sld [smem:$0x3F9B]  }
0x1a: {  	s8 =	sadd.s32 $0xFFFFE003, lr  }
0x1b: {  	s9 =	sadd.s32 $0xFFFFFEF7, lr;
	s5 =	simm.s32 $0xFFFFFFFF;
	p2 =	slt.u32 s8, $0xFFFFF086  }
0x1c: {  	p1 =	slt.u32 s9, $0xF7A;
	s5 =	simm.s32 @!p2 $0x0  }
0x1d: {  	s5 =	simm.s32 @p1 $0x1;
	p0 =	seq.s32 s7, s2  }
0x1e: {  	s7 =	smul.u32 @!p0 $0xF7A, s2;
	p2 =	seq.s32 @!p0 s5, $0x0  }
0x1f: {  	s9 =	smul.u32 $0xF7A, s1;
	s8 =	simm.s32 @!p0 $0x1BF5;
	p2 =	por !p2, p0  }
0x20: {  	[sflag:s8] =	ssyncset.s32 @!p0 $0xFFFFF086;
	s6 =	sadd.s32 @!p0 s3, s7;
	s7 =	simm.s32 @!p0 $0x108  }
0x21: {  	s3 =	sadd.s32 s3, s9;
	s6 =	sadd.s32 @!p0 $0x88, s6;
	s7 =	simm.s32 @p2 $0x1082  }
0x22: {  	[simem:s7], [sflag:s8] =	dma.local @!p0 [hbm:s6], $0xF7A  }
0x23: {  	s9 =	sor.u32 $0xD0000000, s2;
	s6 =	simm.s32 $0x108;
	_ =	swait.ge @!p0 [sflag:s8], $0x0  }
0x24: {  	s3 =	sadd.s32 $0x88, s3;
	s6 =	simm.s32 @!p1 $0x1082;
	[sflag:s4] =	ssyncset.s32 $0xFFFFF086  }
0x25: {  	[simem:s6], [sflag:s4] =	dma.local [hbm:s3], $0xF7A  }
0x26: {  	[smem:$0x3F9B] =	sst s1;
	(tag) =	ssettag s2;
	_ =	strace s9  }
0x27: {  	s1 =	sld [smem:$0x3FAB]  }
0x28: {  	s2 =	sld [smem:$0x3FAC]  }
0x29: {  	s4 =	sld [smem:$0x3FAE]  }
0x2a: {  	p0 =	seq.s32 s5, $0x0;
	s5 =	sld [smem:$0x3FAF]  }
0x2b: {  	s6 =	sld [smem:$0x3FB0]  }
0x2c: {  	s7 =	sld [smem:$0x3FB1]  }
0x2d: {  	s3 =	simm.s32 $0x108;
	s8 =	sld [smem:$0x3FB2]  }
0x2e: {  	s3 =	simm.s32 @!p0 $0x1082;
	s9 =	sld [smem:$0x3FB3]  }
0x2f: {  	lr =	sadd.s32 s0, s3;
	s0 =	sld [smem:$0x3FAA]  }
0x30: {  	s3 =	sld [smem:$0x3FAD]  }
0x31: {  	[smem:$0x3FB6] =	sst s10  }
0x32: {  	s10 =	sld [smem:$0x3FB4];
	_ =	sdelay $0x3  }
0x33: {  	p0 =	seq.s32 s10, $0x1;
	s10 =	sld [smem:$0x3FB6];
	_ =	sdelay $0x3  }
0x34: {  	[smem:$0x3FB6] =	sst s10  }
0x35: {  	s10 =	sld [smem:$0x3FB5];
	_ =	sdelay $0x3  }
0x36: {  	p1 =	seq.s32 s10, $0x1;
	s10 =	sld [smem:$0x3FB6];
	_ =	sdelay $0x3  }
0x37: {  	[smem:$0x3FB6] =	sst s10  }
0x38: {  	s10 =	sld [smem:$0x3FB7]  }
0x39: {  	_ = 	snop;
	(pc) =	sbr.ind lr, $3  }
0x3a: {  	_ = 	snop  }
0x3b: {  	_ = 	snop  }
0x3c: {  	p2 =	seq.s32 s10, $0x1;
	s10 =	sld [smem:$0x3FB6]  }
0x3d: {  	_ =	shalt  }
0x3e: {  	_ =	shalt  }
0x3f: {  	_ =	shalt  }
0x40: {  	_ =	shalt  }
0x41: {  	_ =	shalt  }
0x42: {  	_ =	shalt  }
0x43: {  	_ =	shalt  }
0x44: {  	_ =	shalt  }
0x45: {  	_ =	shalt  }
0x46: {  	_ =	shalt  }
0x47: {  	_ =	shalt  }
0x48: {  	_ =	shalt  }
0x49: {  	_ =	shalt  }
0x4a: {  	_ =	shalt  }
0x4b: {  	_ =	shalt  }
0x4c: {  	_ =	shalt  }
0x4d: {  	_ =	shalt  }
0x4e: {  	_ =	shalt  }
0x4f: {  	_ =	shalt  }
0x50: {  	_ =	shalt  }
0x51: {  	_ =	shalt  }
0x52: {  	_ =	shalt  }
0x53: {  	_ =	shalt  }
0x54: {  	_ =	shalt  }
0x55: {  	_ =	shalt  }
0x56: {  	_ =	shalt  }
0x57: {  	_ =	shalt  }
0x58: {  	_ =	shalt  }
0x59: {  	_ =	shalt  }
0x5a: {  	_ =	shalt  }
0x5b: {  	_ =	shalt  }
0x5c: {  	_ =	shalt  }
0x5d: {  	_ =	shalt  }
0x5e: {  	_ =	shalt  }
0x5f: {  	_ =	shalt  }
0x60: {  	_ =	shalt  }
0x61: {  	_ =	shalt  }
0x62: {  	_ =	shalt  }
0x63: {  	_ =	shalt  }
0x64: {  	_ =	shalt  }
0x65: {  	_ =	shalt  }
0x66: {  	_ =	shalt  }
0x67: {  	_ =	shalt  }
0x68: {  	_ =	shalt  }
0x69: {  	_ =	shalt  }
0x6a: {  	_ =	shalt  }
0x6b: {  	_ =	shalt  }
0x6c: {  	_ =	shalt  }
0x6d: {  	_ =	shalt  }
0x6e: {  	_ =	shalt  }
0x6f: {  	_ =	shalt  }
0x70: {  	_ =	shalt  }
0x71: {  	_ =	shalt  }
0x72: {  	_ =	shalt  }
0x73: {  	_ =	shalt  }
0x74: {  	_ =	shalt  }
0x75: {  	_ =	shalt  }
0x76: {  	_ =	shalt  }
0x77: {  	_ =	shalt  }
0x78: {  	_ =	shalt  }
0x79: {  	_ =	shalt  }
0x7a: {  	_ =	shalt  }
0x7b: {  	_ =	shalt  }
0x7c: {  	_ =	shalt  }
0x7d: {  	_ =	shalt  }
0x7e: {  	_ =	shalt  }
0x7f: {  	_ =	shalt  }
0x80: {  	_ =	shalt  }
0x81: {  	_ =	shalt  }
0x82: {  	_ =	shalt  }
0x83: {  	_ =	shalt  }
0x84: {  	_ =	shalt  }
0x85: {  	_ =	shalt  }
0x86: {  	_ =	shalt  }
0x87: {  	_ =	shalt  }
.Lfunc_end0:
.L_simem_size_0:
called_computation.1_lowered:
.L_overlay_start_0:
0x88: {  	s2 =	sld [smem:$0x3FD9]  }
0x89: {  	s3 =	sld [smem:$0x3FFE];
	_ =	sdelay $0x1  }
0x8a: {  	s1 =	srdreg.scid  }
0x8b: {  	s0 =	sand.u32 $0x1, s1  }
0x8c: {  	s16 =	sshll.u32 s0, $0xA;
	s2 =	sadd.s32 s3, s2  }
0x8d: {  	s2 =	sadd.s32 s2, s16  }
0x8e: {  	[smem:$0x3FC2] =	sst s2  }
0x8f: {  	_ = 	snop  }
0x90: {  	(tm) =	ssettm $0x1  }
0x91: {  	s17 =	sld [smem:$0x3FFB];
	_ =	sdelay $0x3  }
0x92: {  	_ =	strace s17  }
0x93: {  	s2 =	sld [smem:$0x3FFC];
	_ =	sdelay $0x3  }
0x94: {  	_ =	strace s2  }
0x95: {  	s2 =	sld [smem:$0x3FFD];
	_ =	sdelay $0x3  }
0x96: {  	_ =	strace s2  }
0x97: {  	_ =	strace $0x8FFFFFFF  }
0x98: {  	s18 =	sld [smem:$0x3FDB];
	_ =	sdelay $0x1  }
0x99: {  	s19 =	simm.s32 $_scs_section_size  }
0x9a: {  	s4 =	simm.s32 $_size__tile_overlayer_lowered;
	s5 =	simm.s32 $_tile_overlayer_lowered  }
0x9b: {  	s22 =	simm.s32 $0x1BFF;
	s21 =	sshll.u32 s5, $0x1;
	s2 =	sadd.s32 s19, s18  }
0x9c: {  	s6 =	simm.s32 $0x0;
	s20 =	sshll.u32 s4, $0x1;
	s4 =	sadd.s32 s21, s2  }
0x9d: {  	[timem:s6], [sflag:s22] =	dma.local [hbm:s4], s20  }
0x9e: {  	_ =	swait.ge [sflag:s22], s20  }
0x9f: {  	s3 =	ssub.s32 $0x0, s20;
	[sflag:s22] =	ssyncset.done $0x0  }
0xa0: {  	[sflag:s22] =	ssyncadd.s32 s3;
	_ =	sdelay $0x1  }
0xa1: {  	s23 =	simm.s32 $0x1B8B  }
0xa2: {  	_ =	swait.ge [sflag:s23], $0x1  }
0xa3: {  	[sflag:s23] =	ssyncset.done $0x0  }
0xa4: {  	s25 =	simm.s32 $0x1B8E;
	s24 =	sld [smem:$0x3FFE];
	[sflag:s23] =	ssyncadd.s32 $0xFFFFFFFF  }
0xa5: {  	s26 =	simm.s32 $execute0_lowered;
	[smem:$0x3FD2] =	sst s25  }
0xa6: {  	s4 =	sshll.u32 s26, $0x1;
	_ =	strace $0x80000049;
	[dreg:$0x1] =	wrdreg $0xFFFFFFFF  }
0xa7: {  	s28 =	simm.s32 $_size_execute0_lowered;
	s2 =	sadd.s32 s2, s4;
	[dreg:$0x0] =	wrdreg $0x0  }
0xa8: {  	s4 =	sshll.u32 s28, $0x1;
	[dreg:$0x2] =	wrdreg s2  }
0xa9: {  	[dreg:$0x3] =	wrdreg s4  }
0xaa: {  	[dreg:$0x4] =	wrdreg $0xC0  }
0xab: {  	_ =	task [dreg:s6], $0x5FFFF  }
0xac: {  	[dreg:$0x1] =	wrdreg $0xFFFFFFFF  }
0xad: {  	[dreg:$0x0] =	wrdreg $0x60  }
0xae: {  	[dreg:$0x2] =	wrdreg s24  }
0xaf: {  	[dreg:$0x3] =	wrdreg $0x9  }
0xb0: {  	_ =	task.clear_ibuf [dreg:s6], $0x4FFFF;
	_ =	strace $0x90000049  }
0xb1: {  	s29 =	simm.s32 $0x9;
	_ =	strace $0x8000004B  }
0xb2: {  	_ =	swait.ge [sflag:s29], $0x1  }
0xb3: {  	[sflag:s29] =	ssyncadd.s32 $0xFFFFFFFF  }
0xb4: {  	_ =	strace $0x9000004B  }
0xb5: {  	_ =	sfence  }
0xb6: {  	s30 =	sld [smem:$0x0];
	_ =	sdelay $0x2  }
0xb7: {  	s31 =	sshll.u32 s1, $0xD;
	s1 =	sshrl.u32 s1, $0x2  }
0xb8: {  	s3 =	sand.u32 $0x4000, s31;
	s1 =	sadd.s32 s1, s30  }
0xb9: {  	s0 =	sor.u32 s3, s0;
	s1 =	sshll.u32 s1, $0x11  }
0xba: {  	s0 =	sor.u32 s1, s0  }
0xbb: {  	s0 =	sadd.s32 $0x8F2B, s0  }
0xbc: {  	[sflag:s0] =	ssyncadd.remote.s32 $0x1  }
0xbd: {  	_ =	sfence.sel $0xFFFF  }
0xbe: {  	[dreg:$0x0] =	wrdreg $0xFFFFFFFF;
	(pc) =	sbr.abs _section_cstart, $3  }
0xbf: {  	[dreg:$0x1] =	wrdreg $0xFFFFFFFF  }
0xc0: {  	_ =	task.clear_ibuf [dreg:s6], $0x2FFFF;
	_ =	strace $0x9FFFFFFF  }
0xc1: {  	(tm) =	ssettm $0x7FFFFFFF  }
tec
execute0_lowered:
.L_overlay_start_1:
0x0: {  	(tag) =	ssettag $0x1  }
0x1: {  	s4 =	rddreg [dreg:$0x0]  }
0x2: {  	s0 =	rddreg [dreg:$0x1];
	s2 =	simm.s32 $0x0  }
0x3: {  	s3 =	srdreg.scid;
	s1 =	stileid.u32;
	s11 =	simm.s32 $0x1400  }
0x4: {  	s12 =	simm.s32 $0x0;
	[smem:$0x7FF] =	sst s2;
	s5 =	sand.u32 $0x1, s3  }
0x5: {  	s6 =	sshll.u32 s1, $0x1;
	s3 =	sadd.s32 $0x8000, s4;
	s7 =	sadd.s32 $0x18EA00, s4  }
0x6: {  	s9 =	sshll.u32 s1, $0x6;
	_ =	strace $0x8000004A;
	s6 =	sor.u32 s5, s6  }
.Ltmp0:
0x7: {  	s5 =	ssub.s32 $0x2, s5;
	s31 =	sand.u32 $0x300, s9;
	(pc) =	sbr.rel .LBB2_1-.Ltmp0, $4  }
0x8: {  	s9 =	simm.s32 $0x180;
	s8 =	sshll.u32 s6, $0x10;
	s29 =	sshrl.u32 s5, $0x1  }
0x9: {  	s30 =	sshll.u32 s6, $0x5;
	s8 =	sadd.s32 s8, s4;
	s10 =	ssub.s32 s5, s29  }
0xa: {  	s4 =	sadd.s32 s7, s30;
	s5 =	sadd.s32 s7, s31;
	s6 =	sadd.s32 $0x18EE00, s8  }
0xb: {  	s7 =	smax.u32 s10, $0x1;
	s8 =	simm.s32 $0x1;
	s10 =	simm.s32 $0x1180  }
.LBB2_9:
0xc: {  	s12 =	sadd.s32 $0x1, s12  }
0xd: {  	p0 =	sne.s32 s12, s7  }
.Ltmp1:
0xe: {  	_ = 	snop;
	(pc) =	sbr.rel @!p0 .LBB2_10-.Ltmp1, $1  }
0xf: {  	_ =	sdelay $0x3  }
.LBB2_1:
0x10: {  	[tilespmem:s2], [sflag:$0x1] =	stream.linear.gather [hbm4b:s4+s2], $0x100, $0x38;
	[tilespmem:$0x1C00] =	vst v63  }
0x11: {  	_ =	swait.ge [sflag:s8], $0x100  }
0x12: {  	[sflag:s8] =	ssyncset.done $0x0  }
0x13: {  	[sflag:s8] =	ssyncadd.s32 $0xFFFFFF00  }
0x14: {  	[tilespmem:s9], [sflag:$0x1] =	stream.linear.gather [hbm4b:s5+s2], $0x800, $0x38;
	[tilespmem:$0x1C00] =	vst v63  }
0x15: {  	_ =	swait.ge [sflag:s8], $0x800  }
0x16: {  	[sflag:s8] =	ssyncset.done $0x0  }
0x17: {  	s13 =	simm.s32 $0x0;
	[sflag:s8] =	ssyncadd.s32 $0xFFFFF800  }
0x18: {  	v0 =	vld [tilespmem:s13+$0x180];
	_ =	sdelay $0x4  }
0x19: {  	v1 =	vshrl.u32 v0, $0x5  }
0x1a: {  	s15 =	simm.s32 $0x10;
	s14 =	simm.s32 $0x80;
	v0 =	vand.u32 $0x1F, v0;
	[tilespmem:s13+$0x180] =	vst v1  }
.LBB2_2:
0x1b: {  	p0 =	sne.s32 s14, $0x1FC0;
	v1 =	vld [tilespmem:s15+$0x180];
	[tilespmem:s13+$0x980] =	vst v0;
	s13 =	smov.u32 s15;
	_ =	sdelay $0x1  }
.Ltmp2:
0x1c: {  	(pc) =	sbr.rel @p0 .LBB2_2-.Ltmp2, $3  }
0x1d: {  	_ =	sdelay $0x1  }
0x1e: {  	v0 =	vand.u32 $0x1F, v1;
	v1 =	vshrl.u32 v1, $0x5  }
0x1f: {  	s15 =	sshra.s32 s14, $0x2;
	s14 =	sadd.s32 $0x40, s14;
	[tilespmem:s13+$0x180] =	vst v1  }
0x20: {  	v1 =	vld [tilespmem:s15+$0x180];
	_ =	sdelay $0x4  }
0x21: {  	[tilespmem:s13+$0x980] =	vst v0;
	v63 =	vshrl.u32 v1, $0x5  }
0x22: {  	v1 =	vand.u32 $0x1F, v1;
	[tilespmem:s15+$0x180] =	vst v63  }
0x23: {  	s13 =	simm.s32 $0x0;
	s14 =	simm.s32 $0x0;
	[tilespmem:s15+$0x980] =	vst v1  }
.LBB2_4:
0x24: {  	v0 =	vld [tilespmem:s14+$0x0];
	_ =	sdelay $0x4  }
0x25: {  	(v2sf) =	vpush v0, $0x0;
	_ =	sdelay $0xe  }
0x26: {  	s15 =	spop (v2sf)  }
0x27: {  	s15 =	smul.u32 $0x280, s15;
	_ =	sdelay $0x1  }
0x28: {  	p1 =	por $0x1, $0x1;
	s15 =	sshrl.u32 s15, $0x3  }
.Ltmp3:
0x29: {  	s15 =	sadd.s32 s3, s15;
	(pc) =	sbr.rel @!p1 .LBB2_5-.Ltmp3, $4  }
0x2a: {  	[tilespmem:s10], [sflag:$0x1] =	stream.linear.gather [hbm4b:s15+s13], $0x280, $0x38;
	[tilespmem:$0x1C00] =	vst v63  }
0x2b: {  	_ =	swait.ge [sflag:s8], $0x280  }
0x2c: {  	[sflag:s8] =	ssyncset.done $0x0  }
0x2d: {  	p0 =	por $0x0, $0x0;
	s15 =	simm.s32 $0x0;
	[sflag:s8] =	ssyncadd.s32 $0xFFFFFD80  }
0x2e: {  	v0 =	vld [tilespmem:s15+$0x180];
	_ =	sdelay $0x3  }
0x2f: {  	p1 =	por $0x1, $0x1  }
.Ltmp4:
0x30: {  	_ = 	snop;
	(pc) =	sbr.rel @!p1 .LBB2_8-.Ltmp4, $4  }
0x31: {  	_ = 	snop  }
0x32: {  	v1 =	vld [tilespmem:s15+$0x980]  }
0x33: {  	v0 =	vld.idx.msk [tilespmem:v0+s10+$0x0], $0xffff  }
0x34: {  	s16 =	simm.s32 $0x10;
	s17 =	simm.s32 $0x80;
	p0 =	por $0x1, $0x1  }
.LBB2_7:
0x35: {  	p1 =	sne.s32 s17, $0x1FC0;
	v2 =	vld [tilespmem:s16+$0x180];
	_ =	sdelay $0x2  }
0x36: {  	v0 =	vshrl.u32 v0, v1  }
0x37: {  	v0 =	vand.u32 $0x1, v0  }
0x38: {  	v0 =	vcvt.s32.f32 v0  }
.Ltmp5:
0x39: {  	(pc) =	sbr.rel @p1 .LBB2_7-.Ltmp5, $4  }
0x3a: {  	[tilespmem:s15+$0x1400] =	vst v0;
	s15 =	smov.u32 s16  }
0x3b: {  	v0 =	vld.idx.msk [tilespmem:v2+s10+$0x0], $0xffff  }
0x3c: {  	v1 =	vld [tilespmem:s15+$0x980]  }
0x3d: {  	s16 =	sshra.s32 s17, $0x2;
	s17 =	sadd.s32 $0x40, s17  }
.LBB2_8:
0x3e: {  	v2 =	vld [tilespmem:s16+$0x180];
	_ =	sdelay $0x2  }
0x3f: {  	v0 =	vshrl.u32 @p0 v0, v1  }
0x40: {  	v0 =	vand.u32 @p0 $0x1, v0  }
0x41: {  	v0 =	vcvt.s32.f32 @p0 v0;
	_ =	sdelay $0x1  }
0x42: {  	[tilespmem:s15+$0x1400] =	vst @p0 v0  }
0x43: {  	v0 =	vld.idx.msk [tilespmem:v2+s10+$0x0], $0xffff  }
0x44: {  	v63 =	vld [tilespmem:s16+$0x980];
	_ =	sdelay $0x4  }
0x45: {  	v0 =	vshrl.u32 v0, v63  }
0x46: {  	v0 =	vand.u32 $0x1, v0  }
0x47: {  	v0 =	vcvt.s32.f32 v0  }
0x48: {  	s31 =	sshll.u32 s14, $0x8;
	s14 =	sadd.s32 $0x1, s14  }
0x49: {  	s15 =	sadd.s32 s31, s6;
	p0 =	sne.s32 s14, $0x100;
	[tilespmem:s16+$0x1400] =	vst v0  }
0x4a: {  	[hbm4b:s15+s2] =	stream.linear.scatter [tilespmem:s11], [sflag:$0x1], $0x800, $0x38;
	[tilespmem:$0x1C00] =	vst v63  }
.Ltmp6:
0x4b: {  	_ = 	snop;
	(pc) =	sbr.rel @p0 .LBB2_4-.Ltmp6, $4  }
.Ltmp7:
0x4c: {  	_ = 	snop;
	(pc) =	sbr.rel @!p0 .LBB2_9-.Ltmp7, $4  }
0x4d: {  	_ =	swait.ge [sflag:s8], $0x800  }
0x4e: {  	[sflag:s8] =	ssyncset.done $0x0  }
0x4f: {  	[sflag:s8] =	ssyncadd.s32 $0xFFFFF800  }
0x50: {  	_ = 	snop  }
.LBB2_5:
.Ltmp8:
0x51: {  	(pc) =	sbr.rel .LBB2_8-.Ltmp8, $2  }
0x52: {  	_ =	sdelay $0x2  }
0x53: {  	s16 =	simm.s32 $0x0  }
.LBB2_10:
0x54: {  	_ =	sfence.sel $0x180000  }
0x55: {  	[bflag:$0x0] =	sbarrier.arrive $0xFFFF  }
0x56: {  	p0 =	sne.s32 s1, $0x0;
	_ =	strace $0x9000004A  }
0x57: {  	s0 =	sadd.s32 @!p0 $0x100000, s0;
	[bflag:$0x2] =	sbarrier.arrive $0xFFFF  }
0x58: {  	[sflag:s0] =	ssyncadd.tile.s32 @!p0 $0x1;
	_ =	shalt  }
.Lfunc_end2:
_tile_overlayer_lowered:
.L_overlay_start_2:
0x59: {  	(tag) =	ssettag $0x2  }
0x5a: {  	s0 =	rddreg [dreg:$0x0];
	s2 =	stileid.u32  }
0x5b: {  	s1 =	rddreg [dreg:$0x1];
	p0 =	sne.s32 s2, $0x0  }
0x5c: {  	s3 =	rddreg [dreg:$0x2];
	[bflag:$0x3] =	sbarrier.arrive $0xFFFF;
	s2 =	simm.s32 @!p0 $0x1C01  }
0x5d: {  	[timem:s3], [sflag:s2] =	dma.local @!p0 [hbm:s0], s1  }
0x5e: {  	s0 =	simm.s32 @!p0 $0x1  }
0x5f: {  	_ =	swait.ge @!p0 [sflag:s0], s1  }
0x60: {  	s1 =	ssub.s32 @!p0 $0x0, s1;
	[sflag:s0] =	ssyncset.done @!p0 $0x0  }
0x61: {  	[sflag:s0] =	ssyncadd.s32 @!p0 s1  }
0x62: {  	[bflag:$0x3] =	sbarrier.arrive $0xFFFF  }
0x63: {  	_ =	shalt  }

// kernel: scatter_offload_async_start
scs
__scs_entry_jumppad:
0x0: {  	(pc) =	sbr.rel $0x88, $3  }
0x1: {  	(tag) =	ssettag $0x0;
	lr =	simm.s32 $0x1  }
0x2: {  	[smem:$0x3F9B] =	sst lr;
	_ =	strace $0xD0000000  }
0x3: {  	_ = 	snop  }
0x4: {  	_ = 	snop  }
0x5: {  	_ = 	snop  }
0x6: {  	_ = 	snop  }
0x7: {  	_ = 	snop  }
__scs_overlays_trampoline_lowered:
0x8: {  	[smem:$0x3FAA] =	sst s0  }
0x9: {  	[smem:$0x3FAB] =	sst s1  }
0xa: {  	[smem:$0x3FAC] =	sst s2  }
0xb: {  	[smem:$0x3FAD] =	sst s3  }
0xc: {  	[smem:$0x3FAE] =	sst s4  }
0xd: {  	[smem:$0x3FAF] =	sst s5  }
0xe: {  	[smem:$0x3FB0] =	sst s6  }
0xf: {  	[smem:$0x3FB1] =	sst s7  }
0x10: {  	[smem:$0x3FB2] =	sst s8  }
0x11: {  	[smem:$0x3FB3] =	sst s9;
	s0 =	simm.s32 @!p0 $0x0  }
0x12: {  	s1 =	sld [smem:$0x3F99];
	s0 =	simm.s32 @p0 $0x1  }
0x13: {  	[smem:$0x3FB4] =	sst s0;
	s0 =	simm.s32 @!p1 $0x0  }
0x14: {  	s2 =	sld [smem:$0x3F98];
	s0 =	simm.s32 @p1 $0x1  }
0x15: {  	[smem:$0x3FB5] =	sst s0;
	s0 =	simm.s32 @!p2 $0x0  }
0x16: {  	s3 =	sld [smem:$0x3FDB];
	s0 =	simm.s32 @p2 $0x1  }
0x17: {  	s4 =	simm.s32 $0x1BF5;
	[smem:$0x3FB7] =	sst s0  }
0x18: {  	s0 =	sld [smem:$0x3F9A];
	_ =	swait.ge [sflag:s4], $0x0  }
0x19: {  	s7 =	sld [smem:$0x3F9B]  }
0x1a: {  	s8 =	sadd.s32 $0xFFFFE003, lr  }
0x1b: {  	s9 =	sadd.s32 $0xFFFFFEF7, lr;
	s5 =	simm.s32 $0xFFFFFFFF;
	p2 =	slt.u32 s8, $0xFFFFF086  }
0x1c: {  	p1 =	slt.u32 s9, $0xF7A;
	s5 =	simm.s32 @!p2 $0x0  }
0x1d: {  	s5 =	simm.s32 @p1 $0x1;
	p0 =	seq.s32 s7, s2  }
0x1e: {  	s7 =	smul.u32 @!p0 $0xF7A, s2;
	p2 =	seq.s32 @!p0 s5, $0x0  }
0x1f: {  	s9 =	smul.u32 $0xF7A, s1;
	s8 =	simm.s32 @!p0 $0x1BF5;
	p2 =	por !p2, p0  }
0x20: {  	[sflag:s8] =	ssyncset.s32 @!p0 $0xFFFFF086;
	s6 =	sadd.s32 @!p0 s3, s7;
	s7 =	simm.s32 @!p0 $0x108  }
0x21: {  	s3 =	sadd.s32 s3, s9;
	s6 =	sadd.s32 @!p0 $0x88, s6;
	s7 =	simm.s32 @p2 $0x1082  }
0x22: {  	[simem:s7], [sflag:s8] =	dma.local @!p0 [hbm:s6], $0xF7A  }
0x23: {  	s9 =	sor.u32 $0xD0000000, s2;
	s6 =	simm.s32 $0x108;
	_ =	swait.ge @!p0 [sflag:s8], $0x0  }
0x24: {  	s3 =	sadd.s32 $0x88, s3;
	s6 =	simm.s32 @!p1 $0x1082;
	[sflag:s4] =	ssyncset.s32 $0xFFFFF086  }
0x25: {  	[simem:s6], [sflag:s4] =	dma.local [hbm:s3], $0xF7A  }
0x26: {  	[smem:$0x3F9B] =	sst s1;
	(tag) =	ssettag s2;
	_ =	strace s9  }
0x27: {  	s1 =	sld [smem:$0x3FAB]  }
0x28: {  	s2 =	sld [smem:$0x3FAC]  }
0x29: {  	s4 =	sld [smem:$0x3FAE]  }
0x2a: {  	p0 =	seq.s32 s5, $0x0;
	s5 =	sld [smem:$0x3FAF]  }
0x2b: {  	s6 =	sld [smem:$0x3FB0]  }
0x2c: {  	s7 =	sld [smem:$0x3FB1]  }
0x2d: {  	s3 =	simm.s32 $0x108;
	s8 =	sld [smem:$0x3FB2]  }
0x2e: {  	s3 =	simm.s32 @!p0 $0x1082;
	s9 =	sld [smem:$0x3FB3]  }
0x2f: {  	lr =	sadd.s32 s0, s3;
	s0 =	sld [smem:$0x3FAA]  }
0x30: {  	s3 =	sld [smem:$0x3FAD]  }
0x31: {  	[smem:$0x3FB6] =	sst s10  }
0x32: {  	s10 =	sld [smem:$0x3FB4];
	_ =	sdelay $0x3  }
0x33: {  	p0 =	seq.s32 s10, $0x1;
	s10 =	sld [smem:$0x3FB6];
	_ =	sdelay $0x3  }
0x34: {  	[smem:$0x3FB6] =	sst s10  }
0x35: {  	s10 =	sld [smem:$0x3FB5];
	_ =	sdelay $0x3  }
0x36: {  	p1 =	seq.s32 s10, $0x1;
	s10 =	sld [smem:$0x3FB6];
	_ =	sdelay $0x3  }
0x37: {  	[smem:$0x3FB6] =	sst s10  }
0x38: {  	s10 =	sld [smem:$0x3FB7]  }
0x39: {  	_ = 	snop;
	(pc) =	sbr.ind lr, $3  }
0x3a: {  	_ = 	snop  }
0x3b: {  	_ = 	snop  }
0x3c: {  	p2 =	seq.s32 s10, $0x1;
	s10 =	sld [smem:$0x3FB6]  }
0x3d: {  	_ =	shalt  }
0x3e: {  	_ =	shalt  }
0x3f: {  	_ =	shalt  }
0x40: {  	_ =	shalt  }
0x41: {  	_ =	shalt  }
0x42: {  	_ =	shalt  }
0x43: {  	_ =	shalt  }
0x44: {  	_ =	shalt  }
0x45: {  	_ =	shalt  }
0x46: {  	_ =	shalt  }
0x47: {  	_ =	shalt  }
0x48: {  	_ =	shalt  }
0x49: {  	_ =	shalt  }
0x4a: {  	_ =	shalt  }
0x4b: {  	_ =	shalt  }
0x4c: {  	_ =	shalt  }
0x4d: {  	_ =	shalt  }
0x4e: {  	_ =	shalt  }
0x4f: {  	_ =	shalt  }
0x50: {  	_ =	shalt  }
0x51: {  	_ =	shalt  }
0x52: {  	_ =	shalt  }
0x53: {  	_ =	shalt  }
0x54: {  	_ =	shalt  }
0x55: {  	_ =	shalt  }
0x56: {  	_ =	shalt  }
0x57: {  	_ =	shalt  }
0x58: {  	_ =	shalt  }
0x59: {  	_ =	shalt  }
0x5a: {  	_ =	shalt  }
0x5b: {  	_ =	shalt  }
0x5c: {  	_ =	shalt  }
0x5d: {  	_ =	shalt  }
0x5e: {  	_ =	shalt  }
0x5f: {  	_ =	shalt  }
0x60: {  	_ =	shalt  }
0x61: {  	_ =	shalt  }
0x62: {  	_ =	shalt  }
0x63: {  	_ =	shalt  }
0x64: {  	_ =	shalt  }
0x65: {  	_ =	shalt  }
0x66: {  	_ =	shalt  }
0x67: {  	_ =	shalt  }
0x68: {  	_ =	shalt  }
0x69: {  	_ =	shalt  }
0x6a: {  	_ =	shalt  }
0x6b: {  	_ =	shalt  }
0x6c: {  	_ =	shalt  }
0x6d: {  	_ =	shalt  }
0x6e: {  	_ =	shalt  }
0x6f: {  	_ =	shalt  }
0x70: {  	_ =	shalt  }
0x71: {  	_ =	shalt  }
0x72: {  	_ =	shalt  }
0x73: {  	_ =	shalt  }
0x74: {  	_ =	shalt  }
0x75: {  	_ =	shalt  }
0x76: {  	_ =	shalt  }
0x77: {  	_ =	shalt  }
0x78: {  	_ =	shalt  }
0x79: {  	_ =	shalt  }
0x7a: {  	_ =	shalt  }
0x7b: {  	_ =	shalt  }
0x7c: {  	_ =	shalt  }
0x7d: {  	_ =	shalt  }
0x7e: {  	_ =	shalt  }
0x7f: {  	_ =	shalt  }
0x80: {  	_ =	shalt  }
0x81: {  	_ =	shalt  }
0x82: {  	_ =	shalt  }
0x83: {  	_ =	shalt  }
0x84: {  	_ =	shalt  }
0x85: {  	_ =	shalt  }
0x86: {  	_ =	shalt  }
0x87: {  	_ =	shalt  }
.Lfunc_end0:
.L_simem_size_0:
called_computation_lowered:
.L_overlay_start_0:
0x88: {  	s0 =	sld [smem:$0x3FD9]  }
0x89: {  	s1 =	sld [smem:$0x3FFE];
	_ =	sdelay $0x3  }
0x8a: {  	s0 =	sadd.s32 s1, s0  }
0x8b: {  	[smem:$0x3FC2] =	sst s0  }
0x8c: {  	_ = 	snop  }
0x8d: {  	(tm) =	ssettm $0x1  }
0x8e: {  	s15 =	sld [smem:$0x3FFB];
	_ =	sdelay $0x3  }
0x8f: {  	_ =	strace s15  }
0x90: {  	s0 =	sld [smem:$0x3FFC];
	_ =	sdelay $0x3  }
0x91: {  	_ =	strace s0  }
0x92: {  	s0 =	sld [smem:$0x3FFD];
	_ =	sdelay $0x3  }
0x93: {  	_ =	strace s0  }
0x94: {  	_ =	strace $0x8FFFFFFF  }
0x95: {  	s16 =	sld [smem:$0x3FDB];
	_ =	sdelay $0x1  }
0x96: {  	s17 =	simm.s32 $_scs_section_size  }
0x97: {  	s2 =	simm.s32 $_size__tile_overlayer_lowered;
	s3 =	simm.s32 $_tile_overlayer_lowered  }
0x98: {  	s20 =	simm.s32 $0x1BFF;
	s19 =	sshll.u32 s3, $0x1;
	s0 =	sadd.s32 s17, s16  }
0x99: {  	s4 =	simm.s32 $0x0;
	s18 =	sshll.u32 s2, $0x1;
	s2 =	sadd.s32 s19, s0  }
0x9a: {  	[timem:s4], [sflag:s20] =	dma.local [hbm:s2], s18  }
0x9b: {  	_ =	swait.ge [sflag:s20], s18  }
0x9c: {  	s1 =	ssub.s32 $0x0, s18;
	[sflag:s20] =	ssyncset.done $0x0  }
0x9d: {  	[sflag:s20] =	ssyncadd.s32 s1;
	_ =	sdelay $0x1  }
0x9e: {  	s21 =	simm.s32 $0x1B8B  }
0x9f: {  	_ =	swait.ge [sflag:s21], $0x1  }
0xa0: {  	[sflag:s21] =	ssyncset.done $0x0  }
0xa1: {  	s23 =	simm.s32 $0x1B8E;
	s22 =	sld [smem:$0x3FFE];
	[sflag:s21] =	ssyncadd.s32 $0xFFFFFFFF  }
0xa2: {  	s24 =	simm.s32 $execute0_lowered;
	[smem:$0x3FD2] =	sst s23  }
0xa3: {  	s2 =	sshll.u32 s24, $0x1;
	_ =	strace $0x80000046;
	[dreg:$0x1] =	wrdreg $0xFFFFFFFF  }
0xa4: {  	s25 =	simm.s32 $_size_execute0_lowered;
	s0 =	sadd.s32 s0, s2;
	[dreg:$0x0] =	wrdreg $0x0  }
0xa5: {  	s2 =	sshll.u32 s25, $0x1;
	[dreg:$0x2] =	wrdreg s0  }
0xa6: {  	[dreg:$0x3] =	wrdreg s2  }
0xa7: {  	[dreg:$0x4] =	wrdreg $0xC0  }
0xa8: {  	_ =	task [dreg:s4], $0x5FFFF  }
0xa9: {  	[dreg:$0x1] =	wrdreg $0xFFFFFFFF  }
0xaa: {  	[dreg:$0x0] =	wrdreg $0x60  }
0xab: {  	[dreg:$0x2] =	wrdreg s22  }
0xac: {  	[dreg:$0x3] =	wrdreg $0x9  }
0xad: {  	_ =	task.clear_ibuf [dreg:s4], $0x4FFFF;
	_ =	strace $0x90000046  }
0xae: {  	s26 =	simm.s32 $0x9;
	_ =	strace $0x80000048  }
0xaf: {  	_ =	swait.ge [sflag:s26], $0x1  }
0xb0: {  	[sflag:s26] =	ssyncadd.s32 $0xFFFFFFFF  }
0xb1: {  	_ =	strace $0x90000048  }
0xb2: {  	_ =	sfence  }
0xb3: {  	s28 =	sld [smem:$0x0];
	_ =	sdelay $0x1  }
0xb4: {  	s29 =	srdreg.scid  }
0xb5: {  	s30 =	sshll.u32 s29, $0xD;
	s31 =	sshrl.u32 s29, $0x2  }
0xb6: {  	s1 =	sand.u32 $0x1, s29;
	s2 =	sand.u32 $0x4000, s30;
	s0 =	sadd.s32 s31, s28  }
0xb7: {  	s1 =	sor.u32 s2, s1;
	s0 =	sshll.u32 s0, $0x11  }
0xb8: {  	s0 =	sor.u32 s0, s1  }
0xb9: {  	s0 =	sadd.s32 $0x8F2B, s0  }
0xba: {  	[sflag:s0] =	ssyncadd.remote.s32 $0x1  }
0xbb: {  	_ =	sfence.sel $0xFFFF  }
0xbc: {  	[dreg:$0x0] =	wrdreg $0xFFFFFFFF;
	(pc) =	sbr.abs _section_cstart, $3  }
0xbd: {  	[dreg:$0x1] =	wrdreg $0xFFFFFFFF  }
0xbe: {  	_ =	task.clear_ibuf [dreg:s4], $0x2FFFF;
	_ =	strace $0x9FFFFFFF  }
0xbf: {  	(tm) =	ssettm $0x7FFFFFFF  }
tec
execute0_lowered:
.L_overlay_start_1:
0x0: {  	(tag) =	ssettag $0x1  }
0x1: {  	s3 =	rddreg [dreg:$0x0];
	_ =	strace $0x80000047;
	s4 =	simm.s32 $0x1  }
0x2: {  	v1 =	vimm.s32 $0xFFFFFFFF;
	[sflag:s4] =	ssyncpa.u1 $0x0  }
0x3: {  	[tilespmem:$0x10] =	vst v1  }
0x4: {  	v0 =	vimm.s32 $0x0;
	[tilespmem:$0x20] =	vst v1  }
0x5: {  	[tilespmem:$0x30] =	vst v0  }
0x6: {  	s0 =	simm.s32 $0x2;
	s6 =	simm.s32 $0x7;
	[tilespmem:$0x40] =	vst v0  }
0x7: {  	s2 =	stileid.u32;
	s7 =	simm.s32 $0x8;
	s31 =	simm.s32 $0x9;
	[tilespmem:$0x50] =	vst v0  }
0x8: {  	s14 =	simm.s32 $0x0;
	s15 =	simm.s32 $0x100;
	s18 =	simm.s32 $0x10;
	[tilespmem:$0x60] =	vst v1  }
0x9: {  	s19 =	simm.s32 $0x12100;
	s20 =	simm.s32 $0xF;
	s21 =	simm.s32 $0x50;
	[tilespmem:$0x70] =	vst v1  }
0xa: {  	s22 =	simm.s32 $0x80FF;
	s23 =	simm.s32 $0x20;
	s24 =	simm.s32 $0x30;
	[tilespmem:$0x80] =	vst v1  }
0xb: {  	s25 =	simm.s32 $0x100FF;
	s26 =	simm.s32 $0x80;
	s30 =	simm.s32 $0x0;
	[tilespmem:$0x90] =	vst v0  }
.Ltmp0:
0xc: {  	s29 =	simm.s32 $0x0;
	s1 =	sadd.s32 $0x8000, s3;
	[tilespmem:$0xA0] =	vst v0;
	(pc) =	sbr.rel .LBB2_1-.Ltmp0, $4  }
0xd: {  	s5 =	sadd.s32 $0x4000, s3;
	s8 =	sshll.u32 s2, $0xD;
	[tilespmem:$0xB0] =	vst v0;
	[sflag:s0] =	ssyncpa.u1 $0x0  }
0xe: {  	s10 =	sshll.u32 s2, $0x1;
	s12 =	sshllo.u32 s2, $0x1;
	[sflag:s6] =	ssyncpa.u1 $0x0  }
0xf: {  	vm0 =	vmmov $0xffff;
	vm1 =	vmxor vm1, vm1;
	s9 =	sadd.s32 $0x2000, s8;
	s11 =	sor.u32 $0x81, s10;
	[sflag:s7] =	ssyncpa.u1 $0x0  }
0x10: {  	vm2 =	vmmov $0x1;
	vm3 =	vcmask $0x3F3C;
	s13 =	sor.u32 $0x80, s10;
	v1 =	vlaneseq.u32;
	s28 =	smov.u32 s8;
	[sflag:s31] =	ssyncpa.u1 $0x0  }
.LBB2_3:
0x11: {  	s0 =	sshrl.u32 s28, $0x3  }
0x12: {  	s2 =	sand.u32 $0x7, s28;
	s0 =	sadd.s32 s3, s0  }
0x13: {  	[tilespmem:s15], [sflag:$0x7] =	stream.linear.gather [hbm4b:s0+s2], $0x2000, $0x38;
	[tilespmem:$0x12120] =	vst v63  }
.LBB2_4:
0x14: {  	s0 =	sadd.s32 $0x2000, s28  }
0x15: {  	s2 =	smov.u32 s8;
	s29 =	sadd.s32 $0x1, s29;
	p0 =	slt.s32 s0, s9  }
0x16: {  	s2 =	smov.u32 @p0 s0;
	p0 =	sne.s32 s29, $0x4  }
.Ltmp1:
0x17: {  	_ = 	snop;
	(pc) =	sbr.rel @!p0 .LBB2_13-.Ltmp1, $2  }
0x18: {  	_ =	sdelay $0x2  }
0x19: {  	s30 =	smov.u32 s28;
	s28 =	smov.u32 s2  }
.LBB2_1:
0x1a: {  	p0 =	sgt.s32 s29, $0x1  }
.Ltmp2:
0x1b: {  	_ = 	snop;
	(pc) =	sbr.rel @p0 .LBB2_11-.Ltmp2, $1  }
0x1c: {  	_ =	sdelay $0x3  }
0x1d: {  	p0 =	seq.s32 s29, $0x0  }
.Ltmp3:
0x1e: {  	_ = 	snop;
	(pc) =	sbr.rel @p0 .LBB2_3-.Ltmp3, $1  }
0x1f: {  	_ =	sdelay $0x3  }
0x20: {  	_ =	swait.ge [sflag:s6], $0x2000  }
0x21: {  	[sflag:s6] =	ssyncset.done $0x0  }
0x22: {  	[sflag:s6] =	ssyncadd.s32 $0xFFFFE000;
	(ifvalue) =	ssetifvalue $0xFFFFFFFF;
	v2 =	vld.msk [tilespmem:s15+$0x0 ss:$0x1], $0xffff;
	_ =	sdelay $0x4  }
0x23: {  	v3 =	vperm.xlane v2, v0  }
0x24: {  	vm4 =	vlt.u32 v2, $0xC35000  }
0x25: {  	v2 =	vnsel vm4, $0xFFFFFFFE, v2;
	vm4 =	vlt.u32 v3, $0xC35000  }
0x26: {  	[tilespmem:$0x70] =	vst v2;
	v2 =	vnsel vm4, $0xFFFFFFFE, v3  }
0x27: {  	s16 =	simm.s32 $0x20F0;
	[tilespmem:$0x80] =	vst v2  }
0x28: {  	v2 =	vld.msk [tilespmem:s16+$0x0 ss:$0x1], $0xffff;
	_ =	sdelay $0x4  }
0x29: {  	(xrf1) =	vunique.msk.u32 $0xffff, v2;
	_ =	sdelay $0xd  }
0x2a: {  	v3 =	vimm.s32 $0xFFFFFFFF;
	v4, _, _ =	vpop (xrf1)  }
0x2b: {  	vm5 =	vne.s32 v2, v3;
	vm4 =	veq.s32 v4, v1  }
0x2c: {  	vm6 =	vlt.u32 v2, $0xC35000;
	vm4 =	vmand vm5, vm4  }
0x2d: {  	vm4 =	vmand vm6, vm4  }
0x2e: {  	v3 =	vnsel vm4, $0xFFFFFFFF, v2;
	_ =	sdelay $0x3  }
0x2f: {  	s0 =	simm.s32 $0x80F0;
	(ifvalue) =	ssetifvalue $0xFFFFFFFF  }
0x30: {  	v2 =	vperm.xlane v2, v0;
	[tilespmem:s0], [sflag:$0x8] =	stream.indirect_vreg.gather [hbm4b:s1+s14], $0x1, v3, vm0, $0x4038;
	v3 =	vnsel vm6, $0xFFFFFFFE, v3;
	[tilespmem:$0x12120] =	vst v63  }
0x31: {  	s2 =	simm.s32 $0x0;
	s31 =	simm.s32 $0x20E0;
	[tilespmem:s16+$0x0] =	vst v3  }
.LBB2_6:
0x32: {  	v3 =	vld.msk [tilespmem:s31+$0x0 ss:$0x1], $0xffff;
	s2 =	sadd.s32 $0x10, s2;
	v4 =	vmov v2;
	s16 =	smov.u32 s31  }
0x33: {  	p0 =	slt.u32 s2, $0x1FF0;
	_ =	sdelay $0x4  }
0x34: {  	v2 =	vperm.xlane v3, v0;
	(xrf1) =	vunique.msk.u32 $0xffff, v3;
	_ =	sdelay $0xd  }
0x35: {  	v5, _, _ =	vpop (xrf1)  }
0x36: {  	vm5 =	vne.s32 v3, v4;
	vm4 =	veq.s32 v5, v1  }
0x37: {  	vm6 =	vlt.u32 v3, $0xC35000;
	vm4 =	vmand vm5, vm4  }
0x38: {  	vm4 =	vmand vm6, vm4  }
0x39: {  	v3 =	vnsel vm4, $0xFFFFFFFF, v3  }
.Ltmp4:
0x3a: {  	v4 =	vnsel vm6, $0xFFFFFFFE, v3;
	(pc) =	sbr.rel @p0 .LBB2_6-.Ltmp4, $3  }
0x3b: {  	_ =	sdelay $0x1  }
0x3c: {  	s31 =	sadd.s32 $0xFFFFFFF0, s31;
	s0 =	sadd.s32 $0xFFFFFFF0, s0;
	(ifvalue) =	ssetifvalue $0xFFFFFFFF  }
0x3d: {  	[tilespmem:s0], [sflag:$0x8] =	stream.indirect_vreg.gather [hbm4b:s1+s14], $0x1, v3, vm0, $0x4038;
	[tilespmem:s16+$0x0] =	vst v4  }
.Ltmp5:
0x3e: {  	(pc) =	sbr.rel .LBB2_4-.Ltmp5, $4  }
0x3f: {  	_ = 	snop  }
0x40: {  	s0 =	sshrl.u32 s30, $0x3  }
0x41: {  	s2 =	simm.s32 $0xA100;
	s0 =	sadd.s32 s5, s0  }
0x42: {  	[tilespmem:s2], [sflag:$0x8] =	stream.linear.gather [hbm:s0], $0x2000, $0x38;
	[tilespmem:$0x12120] =	vst v63  }
.LBB2_11:
0x43: {  	p0 =	seq.s32 s29, $0x2  }
.Ltmp6:
0x44: {  	_ = 	snop;
	(pc) =	sbr.rel @!p0 .LBB2_12-.Ltmp6, $1  }
0x45: {  	_ =	sdelay $0x3  }
0x46: {  	_ =	swait.ge [sflag:s7], $0x4000  }
0x47: {  	[sflag:s7] =	ssyncset.done $0x0  }
0x48: {  	s0 =	simm.s32 $0x20FF;
	[sflag:s7] =	ssyncadd.s32 $0xFFFFC000  }
0x49: {  	[spmem:s11] =	stream.linear.scatter [tilespmem:s0], [sflag:$0x1], $0x1, $0x38;
	[tilespmem:$0x12120] =	vst v63  }
0x4a: {  	_ =	swait.ge [sflag:s4], $0x1  }
0x4b: {  	[sflag:s4] =	ssyncset.done $0x0  }
0x4c: {  	[sflag:s4] =	ssyncadd.s32 $0xFFFFFFFF  }
0x4d: {  	v3 =	vld [tilespmem:$0x10]  }
0x4e: {  	v4 =	vld [tilespmem:$0x70]  }
0x4f: {  	v2 =	vld [tilespmem:$0x80];
	_ =	sdelay $0x2  }
0x50: {  	(v2sf) =	vpush v3, $0x0  }
0x51: {  	(v2sf) =	vpush v4, $0x0  }
0x52: {  	(v2sf) =	vpush v2, $0x0;
	_ =	sdelay $0xc  }
0x53: {  	s16 =	spop (v2sf)  }
0x54: {  	s2 =	spop (v2sf)  }
0x55: {  	s30 =	spop (v2sf)  }
0x56: {  	p0 =	seq.s32 s16, s2;
	p1 =	seq.s32 s30, s16  }
0x57: {  	p1 =	por p0, p1  }
0x58: {  	v3 =	vpsel p1, $0xFFFFFFFF, v3  }
0x59: {  	[tilespmem:s18+$0x0] =	vst.msk $0x1, v3  }
0x5a: {  	v3 =	vld [tilespmem:$0x30]  }
0x5b: {  	v4 =	vld [tilespmem:$0xA100]  }
0x5c: {  	v5 =	vld [tilespmem:$0x40];
	_ =	sdelay $0x2  }
0x5d: {  	vm4 =	vmmov vm1  }
0x5e: {  	vm5 =	vmmov vm2;
	s31 =	simm.s32 $0xA100;
	vm4 =	vmmov @p0 vm2;
	v4 =	vadd.s32 v3, v4  }
0x5f: {  	vm5 =	vmmov @p1 vm1;
	v3 =	vadd.s32 v3, v5;
	[tilespmem:s31+$0x0] =	vst.msk vm4, v4  }
0x60: {  	[tilespmem:s19+$0x0] =	vst.msk vm5, v3  }
0x61: {  	v3 =	vld [tilespmem:$0x80F0];
	_ =	sdelay $0x3  }
0x62: {  	v4 =	vimm.s32 $0x0  }
0x63: {  	v3 =	vshift.insert v3, v4, s20;
	_ =	sdelay $0x1  }
0x64: {  	[tilespmem:s21+$0x0] =	vst.msk $0x1, v3  }
0x65: {  	[tilespmem:s22+$0x0] =	vst.msk $0x1, v4  }
0x66: {  	v3 =	vld [tilespmem:$0x20F0];
	_ =	sdelay $0x4  }
0x67: {  	v3 =	vshift.insert v3, v4, s20;
	_ =	sdelay $0x1  }
0x68: {  	s17 =	simm.s32 $0x100;
	[tilespmem:s23+$0x0] =	vst.msk $0x1, v3  }
0x69: {  	v5 =	vld [tilespmem:s17+$0x0]  }
0x6a: {  	v6 =	vld [tilespmem:s31+$0x0];
	_ =	sdelay $0x4  }
0x6b: {  	vm4 =	vne.s32 v5, $0xFFFFFFFF;
	v6 =	vadd.s32 v4, v6;
	v4 =	vperm.xlane v3, v4  }
0x6c: {  	s0 =	simm.s32 $0x6100;
	(xrf0) =	vadd.seg.scan.s32 vm4, v6  }
0x6d: {  	vm5 =	veq.s32 v5, v2;
	v6 =	vld [tilespmem:s0+$0x0];
	vm6 =	veq.s32 v5, v4  }
0x6e: {  	vm7 =	vgt.u32 v5, $0xFFFFFFFD;
	vm6 =	vmor vm6, vm5  }
0x6f: {  	v7 =	vld [tilespmem:$0xA0];
	vm6 =	vmor vm6, vm7  }
0x70: {  	v9 =	vld [tilespmem:$0x90];
	v5 =	vsel vm6, $0xFFFFFFFF, v5;
	_ =	sdelay $0x1  }
0x71: {  	v6 =	vsel vm5, $0x0, v6;
	v8, _, _ =	vpop (xrf0)  }
0x72: {  	s2 =	simm.s32 $0xE100;
	vm4 =	vmand vm4, vm3;
	v6 =	vadd.s32 v6, v8  }
0x73: {  	s16 =	simm.s32 $0x0;
	s17 =	simm.s32 $0x110;
	vm6 =	veq.s32 v7, $0x1;
	[tilespmem:s2+$0x0] =	vst v6;
	(ifvalue) =	ssetifvalue $0xFFFFFFFF;
	v6 =	vsel vm4, $0x0, v8  }
0x74: {  	vm4 =	vmor vm6, vm5;
	[hbm4b:s1+s14] =	stream.indirect_vreg.scatter [tilespmem:s2], [sflag:$0x2], $0x1, v5, vm0, $0x4038;
	v5 =	vsel vm5, v8, v9;
	v6 =	vshift.insert v6, v0, s20;
	[tilespmem:$0x12120] =	vst v63  }
.LBB2_9:
0x75: {  	v7 =	vld [tilespmem:s17+$0x0];
	s31 =	sadd.s32 $0x10, s31  }
0x76: {  	s0 =	sadd.s32 $0x10, s0;
	v8 =	vld [tilespmem:s31+$0x0]  }
0x77: {  	s16 =	sadd.s32 $0x10, s16;
	v9 =	vld [tilespmem:s0+$0x0]  }
0x78: {  	p0 =	slt.u32 s16, $0x1FF0;
	_ =	sdelay $0x2  }
0x79: {  	vm5 =	vne.s32 v7, $0xFFFFFFFF;
	v6 =	vadd.s32 v6, v8  }
0x7a: {  	vm6 =	vmand vm5, vm3;
	(xrf0) =	vadd.seg.scan.s32 vm5, v6  }
0x7b: {  	vm7 =	veq.s32 v7, v4;
	vm5 =	veq.s32 v7, v2  }
0x7c: {  	vm8 =	vgt.u32 v7, $0xFFFFFFFD;
	vm4 =	vmor vm4, vm5;
	vm7 =	vmor vm7, vm5  }
0x7d: {  	vm7 =	vmor vm7, vm8  }
0x7e: {  	v7 =	vsel vm7, $0xFFFFFFFF, v7  }
.Ltmp7:
0x7f: {  	(pc) =	sbr.rel @p0 .LBB2_9-.Ltmp7, $4  }
0x80: {  	v6 =	vsel vm5, $0x0, v9;
	v8, _, _ =	vpop (xrf0)  }
0x81: {  	s2 =	sadd.s32 $0x10, s2;
	v5 =	vsel vm5, v8, v5;
	v6 =	vadd.s32 v6, v8;
	v8 =	vsel vm6, $0x0, v8  }
0x82: {  	s17 =	sadd.s32 $0x10, s17;
	[tilespmem:s2+$0x0] =	vst v6;
	v6 =	vshift.insert v8, v0, s20;
	(ifvalue) =	ssetifvalue $0xFFFFFFFF  }
0x83: {  	[hbm4b:s1+s14] =	stream.indirect_vreg.scatter [tilespmem:s2], [sflag:$0x2], $0x1, v7, vm0, $0x4038;
	[tilespmem:$0x12120] =	vst v63  }
0x84: {  	v2 =	vld [tilespmem:$0x100F0];
	_ =	sdelay $0x4  }
0x85: {  	v2 =	vshift.insert v2, v0, s20;
	_ =	sdelay $0x1  }
0x86: {  	[tilespmem:s24+$0x0] =	vst.msk $0x1, v2  }
0x87: {  	v2 =	vsel vm4, $0x1, v0;
	[tilespmem:$0x90] =	vst v5  }
0x88: {  	[tilespmem:$0xA0] =	vst v2  }
0x89: {  	[spmem:s12] =	stream.linear.scatter [tilespmem:s25], [sflag:$0x1], $0x1, $0x38;
	[tilespmem:$0x12120] =	vst v63  }
0x8a: {  	v2 =	vmctz.xlane vm4;
	_ =	swait.ge [sflag:s4], $0x1  }
0x8b: {  	(v2sf) =	vpush v3, $0x0  }
0x8c: {  	(v2sf) =	vpush v2, $0x0;
	_ =	sdelay $0xd  }
0x8d: {  	s0 =	spop (v2sf)  }
0x8e: {  	s2 =	spop (v2sf)  }
0x8f: {  	[sflag:s4] =	ssyncset.done $0x0;
	p0 =	sne.s32 s30, s0;
	p1 =	slt.s32 s2, $0xF  }
0x90: {  	[sflag:s4] =	ssyncadd.s32 $0xFFFFFFFF;
	v2 =	vimm.s32 @!p0 $0xFFFFFFFF;
	s2 =	simm.s32 @!p1 $0xF  }
0x91: {  	[tilespmem:$0x80] =	vst @!p0 v2;
	s31 =	sadd.s32 $0x90, s2  }
0x92: {  	[spmem:s10] =	stream.linear.scatter [tilespmem:s31], [sflag:$0x1], $0x1, $0x38;
	[tilespmem:$0x12120] =	vst v63  }
0x93: {  	_ =	swait.ge [sflag:s4], $0x1  }
0x94: {  	[sflag:s4] =	ssyncset.done $0x0  }
0x95: {  	[sflag:s4] =	ssyncadd.s32 $0xFFFFFFFF  }
0x96: {  	[spmem:s13] =	stream.linear.scatter [tilespmem:s26], [sflag:$0x1], $0x1, $0x38;
	[tilespmem:$0x12120] =	vst v63  }
0x97: {  	_ =	swait.ge [sflag:s4], $0x1  }
0x98: {  	[sflag:s4] =	ssyncset.done $0x0  }
0x99: {  	[sflag:s4] =	ssyncadd.s32 $0xFFFFFFFF;
	(ifvalue) =	ssetifvalue $0xFFFFFFFF;
	v2 =	vld [tilespmem:$0x10];
	_ =	sdelay $0x3  }
.Ltmp8:
0x9a: {  	_ = 	snop;
	(pc) =	sbr.rel .LBB2_4-.Ltmp8, $3  }
0x9b: {  	_ =	sdelay $0x1  }
0x9c: {  	(ifvalue) =	ssetifvalue $0xFFFFFFFF  }
0x9d: {  	[hbm4b:s1+s14] =	stream.indirect_vreg.scatter [tilespmem:s19], [sflag:$0x9], $0x1, v2, vm0, $0x4038;
	[tilespmem:$0x12120] =	vst v63  }
.LBB2_12:
0x9e: {  	s0 =	simm.s32 $0x2  }
0x9f: {  	_ =	swait.ge [sflag:s0], $0x2000  }
0xa0: {  	[sflag:s0] =	ssyncset.done $0x0  }
0xa1: {  	s31 =	simm.s32 $0x9;
	[sflag:s0] =	ssyncadd.s32 $0xFFFFE000  }
0xa2: {  	_ =	swait.ge [sflag:s31], $0x10  }
0xa3: {  	[sflag:s31] =	ssyncset.done $0x0  }
0xa4: {  	[sflag:s31] =	ssyncadd.s32 $0xFFFFFFF0  }
.LBB2_13:
0xa5: {  	_ =	sfence.sel $0x180000  }
0xa6: {  	s0 =	simm.s32 $0x7;
	[bflag:$0x0] =	sbarrier.arrive $0xFFFF  }
0xa7: {  	s26 =	simm.s32 $0x8;
	[sflag:s0] =	ssyncpa.u1 $0x1  }
0xa8: {  	s28 =	simm.s32 $0x9;
	[sflag:s26] =	ssyncpa.u1 $0x1  }
0xa9: {  	[sflag:s28] =	ssyncpa.u1 $0x1  }
0xaa: {  	_ =	sfence.stream.spmem  }
0xab: {  	s29 =	simm.s32 $0x3;
	[bflag:$0x0] =	sbarrier.arrive $0xFFFF  }
0xac: {  	s30 =	simm.s32 $0x4;
	[sflag:s29] =	ssyncpa.u1 $0x1  }
0xad: {  	s31 =	simm.s32 $0x3C;
	s2 =	stileid.u32;
	[sflag:s30] =	ssyncpa.u1 $0x1  }
0xae: {  	p0 =	sne.s32 s2, $0x0;
	[sflag:s31] =	ssyncpa.u1 $0x1  }
0xaf: {  	s0 =	simm.s32 @p0 $0x1;
	_ =	sfence @p0  }
0xb0: {  	[sflag:s0] =	ssyncpa.u1 @p0 $0x1;
	s0 =	simm.s32 @p0 $0x2  }
0xb1: {  	[sflag:s0] =	ssyncpa.u1 @p0 $0x1  }
0xb2: {  	_ =	strace @p0 $0x90000047  }
0xb3: {  	[bflag:$0x2] =	sbarrier.arrive @p0 $0xFFFF  }
0xb4: {  	_ =	shalt @p0  }
.LBB2_14:
0xb5: {  	_ =	sfence.stream.spmem;
	s0 =	simm.s32 $0x5  }
0xb6: {  	s2 =	simm.s32 $0x80;
	s3 =	simm.s32 $0xC0;
	[sflag:s0] =	ssyncpa.u1 $0x0  }
0xb7: {  	[tilespmem:s3], [sflag:$0x5] =	stream.linear.gather [spmem:s2], $0x20, $0x38;
	[tilespmem:$0x12120] =	vst v63  }
0xb8: {  	s2 =	simm.s32 $0x0;
	s3 =	simm.s32 $0xE0  }
0xb9: {  	[tilespmem:s3], [sflag:$0x5] =	stream.linear.gather [spmem:s2], $0x20, $0x38;
	[tilespmem:$0x12120] =	vst v63  }
.Ltmp9:
0xba: {  	_ = 	snop;
	(pc) =	sbr.rel .LBB2_15-.Ltmp9, $4  }
0xbb: {  	_ =	swait.ge [sflag:s0], $0x40  }
0xbc: {  	[sflag:s0] =	ssyncset.done $0x0  }
0xbd: {  	s31 =	simm.s32 $0x6;
	[sflag:s0] =	ssyncadd.s32 $0xFFFFFFC0  }
0xbe: {  	s4 =	simm.s32 $0x0;
	[sflag:s31] =	ssyncpa.u1 $0x0  }
.LBB2_20:
0xbf: {  	p0 =	sgt.u32 s0, $0xC34FFF  }
0xc0: {  	s5 =	sshrl.u32 @!p0 s0, $0x3  }
0xc1: {  	s0 =	sand.u32 @!p0 $0x7, s0;
	s6 =	simm.s32 @!p0 $0xB0;
	s5 =	sadd.s32 @!p0 s1, s5  }
0xc2: {  	[tilespmem:s6], [sflag:$0x6] =	stream.linear.gather @!p0 [hbm4b:s5+s0], $0x1, $0x38;
	[tilespmem:$0x12120] =	vst v63  }
0xc3: {  	s0 =	simm.s32 @!p0 $0x6  }
0xc4: {  	_ =	swait.ge @!p0 [sflag:s0], $0x1  }
0xc5: {  	[sflag:s0] =	ssyncset.done @!p0 $0x0  }
0xc6: {  	[sflag:s0] =	ssyncadd.s32 @!p0 $0xFFFFFFFF  }
0xc7: {  	v2 =	vmov @!p0 s4;
	v1 =	vld.msk @!p0 [tilespmem:$0xB0], $0x1;
	_ =	sdelay $0x3  }
0xc8: {  	s0 =	simm.s32 @!p0 $0xE0  }
0xc9: {  	[tilespmem:v2+s0+$0x0], v1 =	vst.idx.ret.add.s32.msk @!p0 $0x1, v1  }
0xca: {  	[tilespmem:s2+$0xC0] =	vst.msk $0x1, v0  }
0xcb: {  	v0 =	vld.msk [tilespmem:s4+$0xE0], $0x1;
	_ =	sdelay $0x4  }
0xcc: {  	[tilespmem:s2+$0xE0] =	vst.msk $0x1, v0;
	s2 =	sadd.s32 $0x1, s2  }
.LBB2_22:
0xcd: {  	s4 =	sadd.s32 $0x1, s4  }
0xce: {  	p0 =	sne.s32 s4, $0x20  }
.Ltmp10:
0xcf: {  	_ = 	snop;
	(pc) =	sbr.rel @!p0 .LBB2_23-.Ltmp10, $1  }
0xd0: {  	_ =	sdelay $0x3  }
.LBB2_15:
0xd1: {  	v0 =	vld.msk [tilespmem:s4+$0xC0], $0x1;
	_ =	sdelay $0x4  }
0xd2: {  	(v2sf) =	vpush v0, $0x0;
	_ =	sdelay $0xe  }
0xd3: {  	s0 =	spop (v2sf)  }
0xd4: {  	p0 =	seq.s32 s0, $0xFFFFFFFF  }
.Ltmp11:
0xd5: {  	_ = 	snop;
	(pc) =	sbr.rel @p0 .LBB2_22-.Ltmp11, $1  }
0xd6: {  	_ =	sdelay $0x3  }
0xd7: {  	p0 =	slt.s32 s2, $0x1  }
.Ltmp12:
0xd8: {  	_ = 	snop;
	(pc) =	sbr.rel @p0 .LBB2_20-.Ltmp12, $1  }
0xd9: {  	_ =	sdelay $0x3  }
0xda: {  	s5 =	simm.s32 $0xC0;
	p0 =	por $0x0, $0x0  }
0xdb: {  	v1 =	vld.msk @!p0 [tilespmem:s5+$0x0], $0x1;
	_ =	sdelay $0x4  }
0xdc: {  	(v2sf) =	vpush @!p0 v1, $0x0;
	_ =	sdelay $0xd  }
0xdd: {  	p2 =	sne.s32 s2, $0x1  }
.Ltmp13:
0xde: {  	s6 =	spop @!p0 (v2sf);
	(pc) =	sbr.rel @!p2 .LBB2_19-.Ltmp13, $4  }
0xdf: {  	p1 =	seq.s32 @!p0 s0, s6  }
0xe0: {  	s6 =	simm.s32 $0x0;
	p1 =	por !p1, p0  }
0xe1: {  	s8 =	simm.s32 $0xFFFFFFFF;
	s6 =	simm.s32 @p1 $0xFFFFFFFF  }
0xe2: {  	s7 =	simm.s32 $0x1;
	s6 =	smov.u32 @p0 s8  }
.LBB2_18:
0xe3: {  	s8 =	smov.u32 s6;
	p0 =	sne.s32 s6, $0xFFFFFFFF  }
0xe4: {  	s5 =	sadd.s32 $0x1, s5;
	s6 =	smov.u32 s7;
	s7 =	sadd.s32 $0x1, s7  }
0xe5: {  	p1 =	sne.s32 s2, s7;
	v1 =	vld.msk @!p0 [tilespmem:s5+$0x0], $0x1;
	_ =	sdelay $0x4  }
0xe6: {  	(v2sf) =	vpush @!p0 v1, $0x0;
	_ =	sdelay $0xe  }
.Ltmp14:
0xe7: {  	s9 =	spop @!p0 (v2sf);
	(pc) =	sbr.rel @p1 .LBB2_18-.Ltmp14, $4  }
0xe8: {  	p2 =	seq.s32 @!p0 s0, s9  }
0xe9: {  	p2 =	por !p2, p0  }
0xea: {  	s6 =	simm.s32 @p2 $0xFFFFFFFF  }
0xeb: {  	s6 =	smov.u32 @p0 s8  }
.LBB2_19:
0xec: {  	p0 =	sne.s32 s6, $0xFFFFFFFF  }
.Ltmp15:
0xed: {  	_ = 	snop;
	(pc) =	sbr.rel @!p0 .LBB2_20-.Ltmp15, $1  }
0xee: {  	_ =	sdelay $0x3  }
0xef: {  	v0 =	vld.msk [tilespmem:s4+$0xE0], $0x1;
	v1 =	vmov s6  }
.Ltmp16:
0xf0: {  	_ = 	snop;
	(pc) =	sbr.rel .LBB2_22-.Ltmp16, $2  }
0xf1: {  	_ =	sdelay $0x2  }
0xf2: {  	[tilespmem:v1+s3+$0x0], v0 =	vst.idx.ret.add.s32.msk $0x1, v0  }
.LBB2_23:
0xf3: {  	p0 =	slt.s32 s2, $0x1  }
.Ltmp17:
0xf4: {  	_ = 	snop;
	(pc) =	sbr.rel @p0 .LBB2_27-.Ltmp17, $3  }
0xf5: {  	_ =	sdelay $0x1  }
0xf6: {  	s0 =	simm.s32 $0x6  }
0xf7: {  	[sflag:s0] =	ssyncpa.u1 $0x1;
	s0 =	simm.s32 $0x0  }
0xf8: {  	s3 =	simm.s32 $0xC0  }
0xf9: {  	v0 =	vld.msk [tilespmem:s3+$0x0], $0x1;
	_ =	sdelay $0x4  }
0xfa: {  	(v2sf) =	vpush v0, $0x0;
	_ =	sdelay $0xe  }
0xfb: {  	s2 =	sadd.s32 $0xFFFFFFFF, s2;
	s4 =	spop (v2sf)  }
0xfc: {  	p1 =	sne.s32 s2, $0x0;
	p0 =	sgt.u32 s4, $0xC34FFF  }
.Ltmp18:
0xfd: {  	s5 =	sshrl.u32 @!p0 s4, $0x3;
	(pc) =	sbr.rel @!p1 .LBB2_26-.Ltmp18, $4  }
0xfe: {  	s3 =	simm.s32 $0xE0;
	s4 =	sand.u32 @!p0 $0x7, s4;
	s5 =	sadd.s32 @!p0 s1, s5  }
0xff: {  	[hbm4b:s5+s4] =	stream.linear.scatter @!p0 [tilespmem:s3], [sflag:$0x5], $0x1, $0x38;
	[tilespmem:$0x12120] =	vst v63  }
0x100: {  	s5 =	simm.s32 $0x0  }
0x101: {  	s4 =	simm.s32 $0xC1;
	s5 =	simm.s32 @!p0 $0x4  }
.LBB2_25:
0x102: {  	v0 =	vld.msk [tilespmem:s4+$0x0], $0x1;
	s2 =	sadd.s32 $0xFFFFFFFF, s2;
	s0 =	sadd.s32 s0, s5  }
0x103: {  	p0 =	sne.s32 s2, $0x0;
	_ =	sdelay $0x3  }
0x104: {  	(v2sf) =	vpush v0, $0x0;
	_ =	sdelay $0xe  }
.Ltmp19:
0x105: {  	s6 =	spop (v2sf);
	(pc) =	sbr.rel @p0 .LBB2_25-.Ltmp19, $4  }
0x106: {  	s5 =	simm.s32 $0x0;
	p1 =	sgt.u32 s6, $0xC34FFF  }
0x107: {  	s3 =	sadd.s32 $0x1, s3;
	s5 =	simm.s32 @!p1 $0x4;
	s7 =	sshrl.u32 @!p1 s6, $0x3  }
0x108: {  	s4 =	sadd.s32 $0x1, s4;
	s6 =	sand.u32 @!p1 $0x7, s6;
	s7 =	sadd.s32 @!p1 s1, s7  }
0x109: {  	[hbm4b:s7+s6] =	stream.linear.scatter @!p1 [tilespmem:s3], [sflag:$0x5], $0x1, $0x38;
	[tilespmem:$0x12120] =	vst v63  }
.LBB2_26:
0x10a: {  	s0 =	sadd.s32 s0, s5  }
0x10b: {  	s0 =	sshrl.u32 s0, $0x2  }
.LBB2_27:
0x10c: {  	s1 =	simm.s32 $0x5  }
0x10d: {  	_ =	swait.ge [sflag:s1], s0  }
0x10e: {  	s28 =	ssub.s32 $0x0, s0;
	[sflag:s1] =	ssyncset.done $0x0  }
0x10f: {  	[sflag:s1] =	ssyncadd.s32 s28  }
0x110: {  	[sflag:s1] =	ssyncpa.u1 $0x1  }
0x111: {  	s29 =	simm.s32 $0x1;
	_ =	sfence  }
0x112: {  	s30 =	simm.s32 $0x2;
	[sflag:s29] =	ssyncpa.u1 $0x1  }
0x113: {  	[sflag:s30] =	ssyncpa.u1 $0x1  }
0x114: {  	_ =	strace $0x90000047  }
0x115: {  	[bflag:$0x2] =	sbarrier.arrive $0xFFFF  }
0x116: {  	s31 =	rddreg [dreg:$0x1]  }
0x117: {  	s0 =	sadd.s32 $0x100000, s31  }
0x118: {  	[sflag:s0] =	ssyncadd.tile.s32 $0x1;
	_ =	shalt  }
.Lfunc_end2:
_tile_overlayer_lowered:
.L_overlay_start_2:
0x119: {  	(tag) =	ssettag $0x2  }
0x11a: {  	s0 =	rddreg [dreg:$0x0];
	s2 =	stileid.u32  }
0x11b: {  	s1 =	rddreg [dreg:$0x1];
	p0 =	sne.s32 s2, $0x0  }
0x11c: {  	s3 =	rddreg [dreg:$0x2];
	[bflag:$0x3] =	sbarrier.arrive $0xFFFF;
	s2 =	simm.s32 @!p0 $0x1C01  }
0x11d: {  	[timem:s3], [sflag:s2] =	dma.local @!p0 [hbm:s0], s1  }
0x11e: {  	s0 =	simm.s32 @!p0 $0x1  }
0x11f: {  	_ =	swait.ge @!p0 [sflag:s0], s1  }
0x120: {  	s1 =	ssub.s32 @!p0 $0x0, s1;
	[sflag:s0] =	ssyncset.done @!p0 $0x0  }
0x121: {  	[sflag:s0] =	ssyncadd.s32 @!p0 s1  }
0x122: {  	[bflag:$0x3] =	sbarrier.arrive $0xFFFF  }
0x123: {  	_ =	shalt  }

</sc_bundles>
